<compile_context>
chip_gen: v7x
topology: tpu7x:2x2x1
jax: 0.10.2.dev20260603
libtpu: 0.0.44.dev20260713+nightly
codegen_flags: <defaults>
</compile_context>

<pallas_src>
import functools

import jax
import jax.numpy as jnp
from jax import lax
from jax.experimental import pallas as pl
from jax.experimental.pallas import tpu as pltpu
from jax.experimental.pallas import tpu_sc as plsc

_K = 32
_RADIUS = 0.12
_N1 = 4096
_N2 = 8192
_KPAD = 128
_ROWS_TC = 256
_NCH = 128
_G = 16


def _tc_mask_kernel(p1_ref, p2t_ref, sn1_ref, blk_ref, tri_ref,
                    wi_ref, nn_ref, ids_ref, bases_ref):
    p1 = p1_ref[...]
    p2t = p2t_ref[...]
    sn1 = sn1_ref[:, 0:1]
    sn2 = jnp.sum(p2t * p2t, axis=0, keepdims=True)
    dot = lax.dot_general(p1, p2t, (((1,), (0,)), ((), ())),
                          preferred_element_type=jnp.float32)
    d2 = sn1 + sn2 - 2.0 * dot
    d = jnp.sqrt(jnp.maximum(d2, 0.0))
    within = d <= _RADIUS
    wi_ref[...] = within.astype(jnp.int8)
    nn = jnp.minimum(jnp.sum(within.astype(jnp.int32), axis=1), _K)
    nn_ref[...] = jnp.broadcast_to(nn[:, None], (p1.shape[0], 8))

    wf = within.astype(jnp.float32)
    ccnt = lax.dot_general(wf, blk_ref[...], (((1,), (0,)), ((), ())),
                           preferred_element_type=jnp.float32)
    excl = lax.dot_general(ccnt, tri_ref[...], (((1,), (0,)), ((), ())),
                           preferred_element_type=jnp.float32)
    listed = (ccnt > 0.0) & (excl < float(_K))
    lexcl = lax.dot_general(listed.astype(jnp.float32), tri_ref[...],
                            (((1,), (0,)), ((), ())),
                            preferred_element_type=jnp.float32)
    cvec = jax.lax.broadcasted_iota(jnp.int32, (p1.shape[0], _NCH), 1).astype(jnp.float32)
    jot = jax.lax.broadcasted_iota(jnp.int32, (p1.shape[0], _K), 1).astype(jnp.float32)
    ids = jnp.zeros((p1.shape[0], _K), jnp.float32)
    bases = jnp.zeros((p1.shape[0], _K), jnp.float32)
    for j in range(_K):
        sel = listed & (lexcl == float(j))
        idj = jnp.sum(jnp.where(sel, cvec, 0.0), axis=1, keepdims=True)
        bj = jnp.sum(jnp.where(sel, excl, 0.0), axis=1, keepdims=True)
        onehot = (jot == float(j)).astype(jnp.float32)
        ids = ids + idj * onehot
        bases = bases + bj * onehot
    ids_ref[...] = ids.astype(jnp.int32)
    bases_ref[...] = bases.astype(jnp.int32)


def _tc_mask(p1p, p2tp, sn1b, blk, tri):
    grid = _N1 // _ROWS_TC
    return pl.pallas_call(
        _tc_mask_kernel,
        grid=(grid,),
        in_specs=[
            pl.BlockSpec((_ROWS_TC, _KPAD), lambda t: (t, 0)),
            pl.BlockSpec((_KPAD, _N2), lambda t: (0, 0)),
            pl.BlockSpec((_ROWS_TC, 8), lambda t: (t, 0)),
            pl.BlockSpec((_N2, _NCH), lambda t: (0, 0)),
            pl.BlockSpec((_NCH, _NCH), lambda t: (0, 0)),
        ],
        out_specs=[
            pl.BlockSpec((_ROWS_TC, _N2), lambda t: (t, 0)),
            pl.BlockSpec((_ROWS_TC, 8), lambda t: (t, 0)),
            pl.BlockSpec((_ROWS_TC, _K), lambda t: (t, 0)),
            pl.BlockSpec((_ROWS_TC, _K), lambda t: (t, 0)),
        ],
        out_shape=[
            jax.ShapeDtypeStruct((_N1, _N2), jnp.int8),
            jax.ShapeDtypeStruct((_N1, 8), jnp.int32),
            jax.ShapeDtypeStruct((_N1, _K), jnp.int32),
            jax.ShapeDtypeStruct((_N1, _K), jnp.int32),
        ],
    )(p1p, p2tp, sn1b, blk, tri)


def _sc_body(wi_hbm, ids_hbm, bases_hbm, nn_hbm, p2x_hbm, p2y_hbm, p2z_hbm,
             map_hbm, outs_hbm,
             p2x_v, p2y_v, p2z_v, win_v, ids_v, bases_v, nn_v,
             slot_v, map_v, outs_v):
    info = plsc.get_sparse_core_info()
    nc, ns = info.num_cores, info.num_subcores
    wid = lax.axis_index("s") * nc + lax.axis_index("c")
    rows_per = _N1 // (nc * ns)
    row0 = wid * rows_per

    pltpu.sync_copy(p2x_hbm, p2x_v)
    pltpu.sync_copy(p2y_hbm, p2y_v)
    pltpu.sync_copy(p2z_hbm, p2z_v)

    iota = lax.iota(jnp.int32, 16)
    nwpr = _N2 // 4

    def group_body(g, _):
        base = row0 + g * _G
        pltpu.sync_copy(wi_hbm.at[pl.ds(base * nwpr, _G * nwpr)], win_v)
        pltpu.sync_copy(ids_hbm.at[pl.ds(base * _K, _G * _K)], ids_v)
        pltpu.sync_copy(bases_hbm.at[pl.ds(base * _K, _G * _K)], bases_v)
        pltpu.sync_copy(nn_hbm.at[pl.ds(base * 8, _G * 8)], nn_v)

        def row_body(i, _):
            zeros16 = jnp.zeros((16,), jnp.int32)
            slot_v[pl.ds(0, 16)] = zeros16
            slot_v[pl.ds(16, 16)] = zeros16

            def chunk_body(j, _):
                lid = jnp.full((16,), i * _K + j, jnp.int32)
                idspl = plsc.load_gather(ids_v, [lid])
                bspl = plsc.load_gather(bases_v, [lid])
                words = plsc.load_gather(
                    win_v, [i * nwpr + idspl * 16 + iota])
                cnt = (words * 0x01010101) >> 24
                csum = plsc.cumsum(cnt)
                wbase = bspl + (csum - cnt)
                prefix = jnp.zeros((16,), jnp.int32)
                for b in range(4):
                    mb = (words >> (8 * b)) & 1
                    slot = wbase + prefix
                    keep = (mb == 1) & (slot < _K)
                    cols = idspl * 64 + 4 * iota + b
                    plsc.store_scatter(slot_v, [slot], cols, mask=keep)
                    prefix = prefix + mb
                return 0

            lax.fori_loop(0, _K, chunk_body, 0)

            found = plsc.load_gather(nn_v, [jnp.full((16,), i * 8, jnp.int32)])
            m0 = slot_v[pl.ds(0, 16)]
            m1 = slot_v[pl.ds(16, 16)]
            map_v[pl.ds(i * _K, 16)] = m0
            map_v[pl.ds(i * _K + 16, 16)] = m1
            for h, mh in ((0, m0), (1, m1)):
                valid = (iota + 16 * h) < found
                gx = jnp.where(valid, plsc.load_gather(p2x_v, [mh]), 0.0)
                gy = jnp.where(valid, plsc.load_gather(p2y_v, [mh]), 0.0)
                gz = jnp.where(valid, plsc.load_gather(p2z_v, [mh]), 0.0)
                cbase = i * (3 * _K) + (iota + 16 * h) * 3
                plsc.store_scatter(outs_v, [cbase], gx)
                plsc.store_scatter(outs_v, [cbase + 1], gy)
                plsc.store_scatter(outs_v, [cbase + 2], gz)
            return 0

        lax.fori_loop(0, _G, row_body, 0)
        pltpu.sync_copy(map_v, map_hbm.at[pl.ds(base * _K, _G * _K)])
        pltpu.sync_copy(outs_v, outs_hbm.at[pl.ds(base * 3 * _K, _G * 3 * _K)])
        return 0

    lax.fori_loop(0, rows_per // _G, group_body, 0)


@functools.partial(
    pl.kernel,
    mesh=plsc.VectorSubcoreMesh(core_axis_name="c", subcore_axis_name="s"),
    compiler_params=pltpu.CompilerParams(needs_layout_passes=False),
    out_type=[
        jax.ShapeDtypeStruct((_N1 * _K,), jnp.int32),
        jax.ShapeDtypeStruct((_N1 * 3 * _K,), jnp.float32),
    ],
    scratch_types=[
        pltpu.VMEM((_N2,), jnp.float32),
        pltpu.VMEM((_N2,), jnp.float32),
        pltpu.VMEM((_N2,), jnp.float32),
        pltpu.VMEM((_G * (_N2 // 4),), jnp.int32),
        pltpu.VMEM((_G * _K,), jnp.int32),
        pltpu.VMEM((_G * _K,), jnp.int32),
        pltpu.VMEM((_G * 8,), jnp.int32),
        pltpu.VMEM((32,), jnp.int32),
        pltpu.VMEM((_G * _K,), jnp.int32),
        pltpu.VMEM((_G * 3 * _K,), jnp.float32),
    ],
)
def _sc_extract(*args):
    _sc_body(*args)


def kernel(points1, points2):
    p1 = points1[0]
    p2 = points2[0]
    p1p = jnp.pad(p1, ((0, 0), (0, _KPAD - 3)))
    p2tp = jnp.pad(p2.T, ((0, _KPAD - 3), (0, 0)))
    sn1 = jnp.sum(p1 * p1, axis=1)
    sn1b = jnp.broadcast_to(sn1[:, None], (_N1, 8))
    colg = jnp.arange(_N2, dtype=jnp.int32) // 64
    blk = (colg[:, None] == jnp.arange(_NCH, dtype=jnp.int32)[None, :])
    blk = blk.astype(jnp.float32)
    a = jnp.arange(_NCH, dtype=jnp.int32)
    tri = (a[:, None] < a[None, :]).astype(jnp.float32)
    wi8, nn8, ids, bases = _tc_mask(p1p, p2tp, sn1b, blk, tri)
    wi_words = jax.lax.bitcast_convert_type(
        wi8.reshape(_N1, _N2 // 4, 4), jnp.int32).reshape(-1)
    p2x = p2[:, 0]
    p2y = p2[:, 1]
    p2z = p2[:, 2]
    mapping, outs = _sc_extract(wi_words, ids.reshape(-1), bases.reshape(-1),
                                nn8.reshape(-1), p2x, p2y, p2z)
    num_neighbors = nn8[:, 0]
    mapping = mapping.reshape(_N1, _K)
    outputs = outs.reshape(_N1, _K, 3)
    return mapping[None], num_neighbors[None], outputs[None]

# --- scband reference (transcript-rebuilt; emitter-appended) ---
"""Pipeline reference for scband-ball-query-layer-75015898792276 (READ-ONLY COPY).

The authoritative reference and input builder live on the scoring server;
editing this copy changes nothing except your own understanding.
"""

import jax, jax.numpy as jnp
import numpy as np

K = 32
RADIUS = 0.12


def setup_inputs(seed: int = 0) -> dict:
    key = jax.random.key(seed)
    k1, k2 = jax.random.split(key)
    points1 = jax.random.uniform(k1, (1, 4096, 3), dtype=jnp.float32)
    points2 = jax.random.uniform(k2, (1, 8192, 3), dtype=jnp.float32)
    return {"points1": points1, "points2": points2}


def _ball_query(p1, p2, k, radius):
    # p1: [N1,3] query points, p2: [N2,3] search points
    n1 = p1.shape[0]
    n2 = p2.shape[0]
    # pairwise distances via matmul (compute-dense form)
    d2 = (jnp.sum(p1 * p1, axis=1)[:, None]
          + jnp.sum(p2 * p2, axis=1)[None, :]
          - 2.0 * (p1 @ p2.T))
    d = jnp.sqrt(jnp.clip(d2, 0.0, None))
    # warp kernel keeps neighbors with length <= radius (skips > radius)
    within = d <= radius
    # rank of each in-ball neighbor within its row (deterministic index order,
    # mirroring "first k found" semantics of the hash-grid kernel)
    rank = jnp.cumsum(within.astype(jnp.int32), axis=1) - 1
    valid = within & (rank < k)
    num_neighbors = jnp.minimum(jnp.sum(within.astype(jnp.int32), axis=1), k).astype(jnp.int32)
    # scatter neighbor indices into mapping[row, rank]; overflow goes to dummy col k
    rank_c = jnp.where(valid, rank, k)
    rows = jnp.broadcast_to(jnp.arange(n1)[:, None], (n1, n2))
    cols = jnp.broadcast_to(jnp.arange(n2, dtype=jnp.int32)[None, :], (n1, n2))
    mapping = jnp.zeros((n1, k + 1), dtype=jnp.int32).at[rows, rank_c].set(cols)[:, :k]
    # sparse_ball_query: gather positions of found neighbors, zeros elsewhere
    slot_valid = jnp.arange(k)[None, :] < num_neighbors[:, None]
    gathered = jnp.take(p2, mapping, axis=0)  # [n1, k, 3]
    outputs = jnp.where(slot_valid[:, :, None], gathered, 0.0).astype(jnp.float32)
    return mapping, num_neighbors, outputs


def reference(points1, points2):
    # batch size must be 1 (matches torch module assertion)
    mapping, num_neighbors, outputs = _ball_query(points1[0], points2[0], K, RADIUS)
    return (mapping[None], num_neighbors[None], outputs[None])

if __name__ == "__main__":
    import jax
    _d = setup_inputs()
    print(jax.jit(kernel)(*tuple(_d.values())))

</pallas_src>

<mosaic_0001>
#map = affine_map<(d0, d1) -> (0)>
module attributes {stable_mosaic.version = 14 : i64} {
  func.func @_sc_extract(%arg0: i32, %arg1: i32, %arg2: memref<8388608xi32, #tpu.memory_space<hbm>>, %arg3: memref<131072xi32, #tpu.memory_space<hbm>>, %arg4: memref<131072xi32, #tpu.memory_space<hbm>>, %arg5: memref<32768xi32, #tpu.memory_space<hbm>>, %arg6: memref<8192xf32, #tpu.memory_space<hbm>>, %arg7: memref<8192xf32, #tpu.memory_space<hbm>>, %arg8: memref<8192xf32, #tpu.memory_space<hbm>>, %arg9: memref<131072xi32, #tpu.memory_space<hbm>>, %arg10: memref<393216xf32, #tpu.memory_space<hbm>>, %arg11: memref<8192xf32, #tpu.memory_space<vmem>>, %arg12: memref<8192xf32, #tpu.memory_space<vmem>>, %arg13: memref<8192xf32, #tpu.memory_space<vmem>>, %arg14: memref<32768xi32, #tpu.memory_space<vmem>>, %arg15: memref<512xi32, #tpu.memory_space<vmem>>, %arg16: memref<512xi32, #tpu.memory_space<vmem>>, %arg17: memref<128xi32, #tpu.memory_space<vmem>>, %arg18: memref<32xi32, #tpu.memory_space<vmem>>, %arg19: memref<512xi32, #tpu.memory_space<vmem>>, %arg20: memref<1536xf32, #tpu.memory_space<vmem>>) attributes {dimension_semantics = [#tpu.dimension_semantics<core_parallel>, #tpu.dimension_semantics<subcore_parallel>], iteration_bounds = array<i64: 2, 16>, scalar_prefetch = 0 : i64, scratch_operands = 10 : i64, tpu.core_type = #tpu.core_type<sc_vector_subcore>, window_params = [{transform_indices = #map}, {transform_indices = #map}, {transform_indices = #map}, {transform_indices = #map}, {transform_indices = #map}, {transform_indices = #map}, {transform_indices = #map}, {transform_indices = #map}, {transform_indices = #map}]} {
    %mul3A = arith.constant 2 : i32
    %mul3A_0 = arith.muli %arg1, %mul3A : i32
    %add3A = arith.addi %mul3A_0, %arg0 : i32
    %mul3A_1 = arith.constant 128 : i32
    %mul3A_2 = arith.muli %add3A, %mul3A_1 : i32
    "tpu.region"() ({
      %run_scoped3A = tpu.sem_alloc : memref<!tpu.dma_semaphore, #tpu.memory_space<semaphore_mem>>
      tpu.enqueue_dma source(%arg6 : memref<8192xf32, #tpu.memory_space<hbm>>) target(%arg11 : memref<8192xf32, #tpu.memory_space<vmem>>) target_semaphore(%run_scoped3A : memref<!tpu.dma_semaphore, #tpu.memory_space<semaphore_mem>>)
      tpu.wait_dma2 semaphore(%run_scoped3A : memref<!tpu.dma_semaphore, #tpu.memory_space<semaphore_mem>>) src(%arg6 : memref<8192xf32, #tpu.memory_space<hbm>>) dst(%arg11 : memref<8192xf32, #tpu.memory_space<vmem>>)
      tpu.yield
    }) : () -> ()
    "tpu.region"() ({
      %run_scoped3A = tpu.sem_alloc : memref<!tpu.dma_semaphore, #tpu.memory_space<semaphore_mem>>
      tpu.enqueue_dma source(%arg7 : memref<8192xf32, #tpu.memory_space<hbm>>) target(%arg12 : memref<8192xf32, #tpu.memory_space<vmem>>) target_semaphore(%run_scoped3A : memref<!tpu.dma_semaphore, #tpu.memory_space<semaphore_mem>>)
      tpu.wait_dma2 semaphore(%run_scoped3A : memref<!tpu.dma_semaphore, #tpu.memory_space<semaphore_mem>>) src(%arg7 : memref<8192xf32, #tpu.memory_space<hbm>>) dst(%arg12 : memref<8192xf32, #tpu.memory_space<vmem>>)
      tpu.yield
    }) : () -> ()
    "tpu.region"() ({
      %run_scoped3A = tpu.sem_alloc : memref<!tpu.dma_semaphore, #tpu.memory_space<semaphore_mem>>
      tpu.enqueue_dma source(%arg8 : memref<8192xf32, #tpu.memory_space<hbm>>) target(%arg13 : memref<8192xf32, #tpu.memory_space<vmem>>) target_semaphore(%run_scoped3A : memref<!tpu.dma_semaphore, #tpu.memory_space<semaphore_mem>>)
      tpu.wait_dma2 semaphore(%run_scoped3A : memref<!tpu.dma_semaphore, #tpu.memory_space<semaphore_mem>>) src(%arg8 : memref<8192xf32, #tpu.memory_space<hbm>>) dst(%arg13 : memref<8192xf32, #tpu.memory_space<vmem>>)
      tpu.yield
    }) : () -> ()
    %iota3A = tpu.iota {dimensions = array<i32: 0>} : vector<16xi32>
    %scan3A = arith.constant 0 : i32
    %scan3A_3 = arith.constant 0 : i32
    %scan3A_4 = arith.constant 8 : i32
    %scan3A_5 = arith.addi %scan3A_3, %scan3A_4 : i32
    %scan3A_6 = arith.constant 1 : i32
    %scan3A_7 = scf.for %scan3A_9 = %scan3A_3 to %scan3A_5 step %scan3A_6 iter_args(%scan3A_10 = %scan3A) -> (i32)  : i32 {
      %mul3A_11 = arith.constant 16 : i32
      %mul3A_12 = arith.muli %scan3A_9, %mul3A_11 : i32
      %add3A_13 = arith.addi %mul3A_2, %mul3A_12 : i32
      %mul3A_14 = arith.constant 2048 : i32
      %mul3A_15 = arith.muli %add3A_13, %mul3A_14 : i32
      "tpu.region"() ({
        %run_scoped3A = tpu.sem_alloc : memref<!tpu.dma_semaphore, #tpu.memory_space<semaphore_mem>>
        %dma_start3A = tpu.memref_slice %arg2[%mul3A_15] : memref<8388608xi32, #tpu.memory_space<hbm>> -> memref<32768xi32, #tpu.memory_space<hbm>>
        %dma_start3A_36 = tpu.memref_slice %arg2[%mul3A_15] : memref<8388608xi32, #tpu.memory_space<hbm>> -> memref<32768xi32, #tpu.memory_space<hbm>>
        tpu.enqueue_dma source(%dma_start3A_36 : memref<32768xi32, #tpu.memory_space<hbm>>) target(%arg14 : memref<32768xi32, #tpu.memory_space<vmem>>) target_semaphore(%run_scoped3A : memref<!tpu.dma_semaphore, #tpu.memory_space<semaphore_mem>>)
        %dma_wait3A = tpu.memref_slice %arg2[%mul3A_15] : memref<8388608xi32, #tpu.memory_space<hbm>> -> memref<32768xi32, #tpu.memory_space<hbm>>
        %dma_wait3A_37 = tpu.memref_slice %arg2[%mul3A_15] : memref<8388608xi32, #tpu.memory_space<hbm>> -> memref<32768xi32, #tpu.memory_space<hbm>>
        tpu.wait_dma2 semaphore(%run_scoped3A : memref<!tpu.dma_semaphore, #tpu.memory_space<semaphore_mem>>) src(%dma_wait3A_37 : memref<32768xi32, #tpu.memory_space<hbm>>) dst(%arg14 : memref<32768xi32, #tpu.memory_space<vmem>>)
        tpu.yield
      }) : () -> ()
      %mul3A_16 = arith.constant 32 : i32
      %mul3A_17 = arith.muli %add3A_13, %mul3A_16 : i32
      "tpu.region"() ({
        %run_scoped3A = tpu.sem_alloc : memref<!tpu.dma_semaphore, #tpu.memory_space<semaphore_mem>>
        %dma_start3A = tpu.memref_slice %arg3[%mul3A_17] : memref<131072xi32, #tpu.memory_space<hbm>> -> memref<512xi32, #tpu.memory_space<hbm>>
        %dma_start3A_36 = tpu.memref_slice %arg3[%mul3A_17] : memref<131072xi32, #tpu.memory_space<hbm>> -> memref<512xi32, #tpu.memory_space<hbm>>
        tpu.enqueue_dma source(%dma_start3A_36 : memref<512xi32, #tpu.memory_space<hbm>>) target(%arg15 : memref<512xi32, #tpu.memory_space<vmem>>) target_semaphore(%run_scoped3A : memref<!tpu.dma_semaphore, #tpu.memory_space<semaphore_mem>>)
        %dma_wait3A = tpu.memref_slice %arg3[%mul3A_17] : memref<131072xi32, #tpu.memory_space<hbm>> -> memref<512xi32, #tpu.memory_space<hbm>>
        %dma_wait3A_37 = tpu.memref_slice %arg3[%mul3A_17] : memref<131072xi32, #tpu.memory_space<hbm>> -> memref<512xi32, #tpu.memory_space<hbm>>
        tpu.wait_dma2 semaphore(%run_scoped3A : memref<!tpu.dma_semaphore, #tpu.memory_space<semaphore_mem>>) src(%dma_wait3A_37 : memref<512xi32, #tpu.memory_space<hbm>>) dst(%arg15 : memref<512xi32, #tpu.memory_space<vmem>>)
        tpu.yield
      }) : () -> ()
      %mul3A_18 = arith.constant 32 : i32
      %mul3A_19 = arith.muli %add3A_13, %mul3A_18 : i32
      "tpu.region"() ({
        %run_scoped3A = tpu.sem_alloc : memref<!tpu.dma_semaphore, #tpu.memory_space<semaphore_mem>>
        %dma_start3A = tpu.memref_slice %arg4[%mul3A_19] : memref<131072xi32, #tpu.memory_space<hbm>> -> memref<512xi32, #tpu.memory_space<hbm>>
        %dma_start3A_36 = tpu.memref_slice %arg4[%mul3A_19] : memref<131072xi32, #tpu.memory_space<hbm>> -> memref<512xi32, #tpu.memory_space<hbm>>
        tpu.enqueue_dma source(%dma_start3A_36 : memref<512xi32, #tpu.memory_space<hbm>>) target(%arg16 : memref<512xi32, #tpu.memory_space<vmem>>) target_semaphore(%run_scoped3A : memref<!tpu.dma_semaphore, #tpu.memory_space<semaphore_mem>>)
        %dma_wait3A = tpu.memref_slice %arg4[%mul3A_19] : memref<131072xi32, #tpu.memory_space<hbm>> -> memref<512xi32, #tpu.memory_space<hbm>>
        %dma_wait3A_37 = tpu.memref_slice %arg4[%mul3A_19] : memref<131072xi32, #tpu.memory_space<hbm>> -> memref<512xi32, #tpu.memory_space<hbm>>
        tpu.wait_dma2 semaphore(%run_scoped3A : memref<!tpu.dma_semaphore, #tpu.memory_space<semaphore_mem>>) src(%dma_wait3A_37 : memref<512xi32, #tpu.memory_space<hbm>>) dst(%arg16 : memref<512xi32, #tpu.memory_space<vmem>>)
        tpu.yield
      }) : () -> ()
      %mul3A_20 = arith.constant 8 : i32
      %mul3A_21 = arith.muli %add3A_13, %mul3A_20 : i32
      "tpu.region"() ({
        %run_scoped3A = tpu.sem_alloc : memref<!tpu.dma_semaphore, #tpu.memory_space<semaphore_mem>>
        %dma_start3A = tpu.memref_slice %arg5[%mul3A_21] : memref<32768xi32, #tpu.memory_space<hbm>> -> memref<128xi32, #tpu.memory_space<hbm>>
        %dma_start3A_36 = tpu.memref_slice %arg5[%mul3A_21] : memref<32768xi32, #tpu.memory_space<hbm>> -> memref<128xi32, #tpu.memory_space<hbm>>
        tpu.enqueue_dma source(%dma_start3A_36 : memref<128xi32, #tpu.memory_space<hbm>>) target(%arg17 : memref<128xi32, #tpu.memory_space<vmem>>) target_semaphore(%run_scoped3A : memref<!tpu.dma_semaphore, #tpu.memory_space<semaphore_mem>>)
        %dma_wait3A = tpu.memref_slice %arg5[%mul3A_21] : memref<32768xi32, #tpu.memory_space<hbm>> -> memref<128xi32, #tpu.memory_space<hbm>>
        %dma_wait3A_37 = tpu.memref_slice %arg5[%mul3A_21] : memref<32768xi32, #tpu.memory_space<hbm>> -> memref<128xi32, #tpu.memory_space<hbm>>
        tpu.wait_dma2 semaphore(%run_scoped3A : memref<!tpu.dma_semaphore, #tpu.memory_space<semaphore_mem>>) src(%dma_wait3A_37 : memref<128xi32, #tpu.memory_space<hbm>>) dst(%arg17 : memref<128xi32, #tpu.memory_space<vmem>>)
        tpu.yield
      }) : () -> ()
      %scan3A_22 = arith.constant 0 : i32
      %scan3A_23 = arith.constant 0 : i32
      %scan3A_24 = arith.constant 16 : i32
      %scan3A_25 = arith.addi %scan3A_23, %scan3A_24 : i32
      %scan3A_26 = arith.constant 1 : i32
      %scan3A_27 = scf.for %scan3A_36 = %scan3A_23 to %scan3A_25 step %scan3A_26 iter_args(%scan3A_37 = %scan3A_22) -> (i32)  : i32 {
        %broadcast_in_dim3A = arith.constant 0 : i32
        %broadcast_in_dim3A_38 = vector.broadcast %broadcast_in_dim3A : i32 to vector<16xi32>
        %swap3A = arith.constant 0 : index
        %swap3A_39 = tpu.vector_load %arg18[%swap3A] {strides = array<i32>} : memref<32xi32, #tpu.memory_space<vmem>>, vector<16xi32>,
        tpu.vector_store %arg18[%swap3A], %broadcast_in_dim3A_38 {strides = array<i32>} : memref<32xi32, #tpu.memory_space<vmem>>, vector<16xi32>,
        %swap3A_40 = arith.constant 16 : index
        %swap3A_41 = tpu.vector_load %arg18[%swap3A_40] {strides = array<i32>} : memref<32xi32, #tpu.memory_space<vmem>>, vector<16xi32>,
        tpu.vector_store %arg18[%swap3A_40], %broadcast_in_dim3A_38 {strides = array<i32>} : memref<32xi32, #tpu.memory_space<vmem>>, vector<16xi32>,
        %scan3A_42 = arith.constant 0 : i32
        %scan3A_43 = arith.constant 0 : i32
        %scan3A_44 = arith.constant 32 : i32
        %scan3A_45 = arith.addi %scan3A_43, %scan3A_44 : i32
        %scan3A_46 = arith.constant 1 : i32
        %scan3A_47 = scf.for %scan3A_127 = %scan3A_43 to %scan3A_45 step %scan3A_46 iter_args(%scan3A_128 = %scan3A_42) -> (i32)  : i32 {
          %mul3A_129 = arith.constant 32 : i32
          %mul3A_130 = arith.muli %scan3A_36, %mul3A_129 : i32
          %add3A_131 = arith.addi %mul3A_130, %scan3A_127 : i32
          %broadcast_in_dim3A_132 = vector.broadcast %add3A_131 : i32 to vector<16xi32>
          %gather3A_133 = tpu.vector_load_idx %arg15[%broadcast_in_dim3A_132] : memref<512xi32, #tpu.memory_space<vmem>>[vector<16xi32>], vector<16xi32>,
          %gather3A_134 = tpu.vector_load_idx %arg16[%broadcast_in_dim3A_132] : memref<512xi32, #tpu.memory_space<vmem>>[vector<16xi32>], vector<16xi32>,
          %mul3A_135 = arith.constant 2048 : i32
          %mul3A_136 = arith.muli %scan3A_36, %mul3A_135 : i32
          %mul3A_137 = arith.constant 16 : i32
          %mul3A_138 = vector.broadcast %mul3A_137 : i32 to vector<16xi32>
          %mul3A_139 = arith.muli %gather3A_133, %mul3A_138 : vector<16xi32>
          %add3A_140 = vector.broadcast %mul3A_136 : i32 to vector<16xi32>
          %add3A_141 = arith.addi %add3A_140, %mul3A_139 : vector<16xi32>
          %add3A_142 = arith.addi %add3A_141, %iota3A : vector<16xi32>
          %gather3A_143 = tpu.vector_load_idx %arg14[%add3A_142] : memref<32768xi32, #tpu.memory_space<vmem>>[vector<16xi32>], vector<16xi32>,
          %mul3A_144 = arith.constant 16843009 : i32
          %mul3A_145 = vector.broadcast %mul3A_144 : i32 to vector<16xi32>
          %mul3A_146 = arith.muli %gather3A_143, %mul3A_145 : vector<16xi32>
          %shift_right_arithmetic3A = arith.constant 24 : i32
          %shift_right_arithmetic3A_147 = vector.broadcast %shift_right_arithmetic3A : i32 to vector<16xi32>
          %shift_right_arithmetic3A_148 = arith.shrsi %mul3A_146, %shift_right_arithmetic3A_147 : vector<16xi32>
          %broadcast_in_dim3A_149 = arith.constant true
          %broadcast_in_dim3A_150 = vector.broadcast %broadcast_in_dim3A_149 : i1 to vector<16xi1>
          %masked_cumsum3A = tpu.scan <sum>, %shift_right_arithmetic3A_148 masked %broadcast_in_dim3A_150 : vector<16xi32>, vector<16xi1> -> vector<16xi32>
          %sub3A = arith.subi %masked_cumsum3A, %shift_right_arithmetic3A_148 : vector<16xi32>
          %add3A_151 = arith.addi %gather3A_134, %sub3A : vector<16xi32>
          %broadcast_in_dim3A_152 = arith.constant 0 : i32
          %broadcast_in_dim3A_153 = vector.broadcast %broadcast_in_dim3A_152 : i32 to vector<16xi32>
          %shift_right_arithmetic3A_154 = arith.constant 0 : i32
          %shift_right_arithmetic3A_155 = vector.broadcast %shift_right_arithmetic3A_154 : i32 to vector<16xi32>
          %shift_right_arithmetic3A_156 = arith.shrsi %gather3A_143, %shift_right_arithmetic3A_155 : vector<16xi32>
          %and3A = arith.constant 1 : i32
          %and3A_157 = vector.broadcast %and3A : i32 to vector<16xi32>
          %and3A_158 = arith.andi %shift_right_arithmetic3A_156, %and3A_157 : vector<16xi32>
          %add3A_159 = arith.addi %add3A_151, %broadcast_in_dim3A_153 : vector<16xi32>
          %eq3A = arith.constant 1 : i32
          %eq3A_160 = vector.broadcast %eq3A : i32 to vector<16xi32>
          %eq3A_161 = arith.cmpi eq, %and3A_158, %eq3A_160 : vector<16xi32>
          %lt3A_162 = arith.constant 32 : i32
          %lt3A_163 = vector.broadcast %lt3A_162 : i32 to vector<16xi32>
          %lt3A_164 = arith.cmpi slt, %add3A_159, %lt3A_163 : vector<16xi32>
          %and3A_165 = arith.andi %eq3A_161, %lt3A_164 : vector<16xi1>
          %mul3A_166 = arith.constant 64 : i32
          %mul3A_167 = vector.broadcast %mul3A_166 : i32 to vector<16xi32>
          %mul3A_168 = arith.muli %gather3A_133, %mul3A_167 : vector<16xi32>
          %mul3A_169 = arith.constant 4 : i32
          %mul3A_170 = vector.broadcast %mul3A_169 : i32 to vector<16xi32>
          %mul3A_171 = arith.muli %mul3A_170, %iota3A : vector<16xi32>
          %add3A_172 = arith.addi %mul3A_168, %mul3A_171 : vector<16xi32>
          %add3A_173 = arith.constant 0 : i32
          %add3A_174 = vector.broadcast %add3A_173 : i32 to vector<16xi32>
          %add3A_175 = arith.addi %add3A_172, %add3A_174 : vector<16xi32>
          tpu.vector_store_idx %arg18[%add3A_159], %add3A_175 masked %and3A_165 : memref<32xi32, #tpu.memory_space<vmem>>[vector<16xi32>], vector<16xi32>, vector<16xi1>
          %add3A_176 = arith.addi %broadcast_in_dim3A_153, %and3A_158 : vector<16xi32>
          %shift_right_arithmetic3A_177 = arith.constant 8 : i32
          %shift_right_arithmetic3A_178 = vector.broadcast %shift_right_arithmetic3A_177 : i32 to vector<16xi32>
          %shift_right_arithmetic3A_179 = arith.shrsi %gather3A_143, %shift_right_arithmetic3A_178 : vector<16xi32>
          %and3A_180 = arith.constant 1 : i32
          %and3A_181 = vector.broadcast %and3A_180 : i32 to vector<16xi32>
          %and3A_182 = arith.andi %shift_right_arithmetic3A_179, %and3A_181 : vector<16xi32>
          %add3A_183 = arith.addi %add3A_151, %add3A_176 : vector<16xi32>
          %eq3A_184 = arith.constant 1 : i32
          %eq3A_185 = vector.broadcast %eq3A_184 : i32 to vector<16xi32>
          %eq3A_186 = arith.cmpi eq, %and3A_182, %eq3A_185 : vector<16xi32>
          %lt3A_187 = arith.constant 32 : i32
          %lt3A_188 = vector.broadcast %lt3A_187 : i32 to vector<16xi32>
          %lt3A_189 = arith.cmpi slt, %add3A_183, %lt3A_188 : vector<16xi32>
          %and3A_190 = arith.andi %eq3A_186, %lt3A_189 : vector<16xi1>
          %mul3A_191 = arith.constant 64 : i32
          %mul3A_192 = vector.broadcast %mul3A_191 : i32 to vector<16xi32>
          %mul3A_193 = arith.muli %gather3A_133, %mul3A_192 : vector<16xi32>
          %mul3A_194 = arith.constant 4 : i32
          %mul3A_195 = vector.broadcast %mul3A_194 : i32 to vector<16xi32>
          %mul3A_196 = arith.muli %mul3A_195, %iota3A : vector<16xi32>
          %add3A_197 = arith.addi %mul3A_193, %mul3A_196 : vector<16xi32>
          %add3A_198 = arith.constant 1 : i32
          %add3A_199 = vector.broadcast %add3A_198 : i32 to vector<16xi32>
          %add3A_200 = arith.addi %add3A_197, %add3A_199 : vector<16xi32>
          tpu.vector_store_idx %arg18[%add3A_183], %add3A_200 masked %and3A_190 : memref<32xi32, #tpu.memory_space<vmem>>[vector<16xi32>], vector<16xi32>, vector<16xi1>
          %add3A_201 = arith.addi %add3A_176, %and3A_182 : vector<16xi32>
          %shift_right_arithmetic3A_202 = arith.constant 16 : i32
          %shift_right_arithmetic3A_203 = vector.broadcast %shift_right_arithmetic3A_202 : i32 to vector<16xi32>
          %shift_right_arithmetic3A_204 = arith.shrsi %gather3A_143, %shift_right_arithmetic3A_203 : vector<16xi32>
          %and3A_205 = arith.constant 1 : i32
          %and3A_206 = vector.broadcast %and3A_205 : i32 to vector<16xi32>
          %and3A_207 = arith.andi %shift_right_arithmetic3A_204, %and3A_206 : vector<16xi32>
          %add3A_208 = arith.addi %add3A_151, %add3A_201 : vector<16xi32>
          %eq3A_209 = arith.constant 1 : i32
          %eq3A_210 = vector.broadcast %eq3A_209 : i32 to vector<16xi32>
          %eq3A_211 = arith.cmpi eq, %and3A_207, %eq3A_210 : vector<16xi32>
          %lt3A_212 = arith.constant 32 : i32
          %lt3A_213 = vector.broadcast %lt3A_212 : i32 to vector<16xi32>
          %lt3A_214 = arith.cmpi slt, %add3A_208, %lt3A_213 : vector<16xi32>
          %and3A_215 = arith.andi %eq3A_211, %lt3A_214 : vector<16xi1>
          %mul3A_216 = arith.constant 64 : i32
          %mul3A_217 = vector.broadcast %mul3A_216 : i32 to vector<16xi32>
          %mul3A_218 = arith.muli %gather3A_133, %mul3A_217 : vector<16xi32>
          %mul3A_219 = arith.constant 4 : i32
          %mul3A_220 = vector.broadcast %mul3A_219 : i32 to vector<16xi32>
          %mul3A_221 = arith.muli %mul3A_220, %iota3A : vector<16xi32>
          %add3A_222 = arith.addi %mul3A_218, %mul3A_221 : vector<16xi32>
          %add3A_223 = arith.constant 2 : i32
          %add3A_224 = vector.broadcast %add3A_223 : i32 to vector<16xi32>
          %add3A_225 = arith.addi %add3A_222, %add3A_224 : vector<16xi32>
          tpu.vector_store_idx %arg18[%add3A_208], %add3A_225 masked %and3A_215 : memref<32xi32, #tpu.memory_space<vmem>>[vector<16xi32>], vector<16xi32>, vector<16xi1>
          %add3A_226 = arith.addi %add3A_201, %and3A_207 : vector<16xi32>
          %shift_right_arithmetic3A_227 = arith.constant 24 : i32
          %shift_right_arithmetic3A_228 = vector.broadcast %shift_right_arithmetic3A_227 : i32 to vector<16xi32>
          %shift_right_arithmetic3A_229 = arith.shrsi %gather3A_143, %shift_right_arithmetic3A_228 : vector<16xi32>
          %and3A_230 = arith.constant 1 : i32
          %and3A_231 = vector.broadcast %and3A_230 : i32 to vector<16xi32>
          %and3A_232 = arith.andi %shift_right_arithmetic3A_229, %and3A_231 : vector<16xi32>
          %add3A_233 = arith.addi %add3A_151, %add3A_226 : vector<16xi32>
          %eq3A_234 = arith.constant 1 : i32
          %eq3A_235 = vector.broadcast %eq3A_234 : i32 to vector<16xi32>
          %eq3A_236 = arith.cmpi eq, %and3A_232, %eq3A_235 : vector<16xi32>
          %lt3A_237 = arith.constant 32 : i32
          %lt3A_238 = vector.broadcast %lt3A_237 : i32 to vector<16xi32>
          %lt3A_239 = arith.cmpi slt, %add3A_233, %lt3A_238 : vector<16xi32>
          %and3A_240 = arith.andi %eq3A_236, %lt3A_239 : vector<16xi1>
          %mul3A_241 = arith.constant 64 : i32
          %mul3A_242 = vector.broadcast %mul3A_241 : i32 to vector<16xi32>
          %mul3A_243 = arith.muli %gather3A_133, %mul3A_242 : vector<16xi32>
          %mul3A_244 = arith.constant 4 : i32
          %mul3A_245 = vector.broadcast %mul3A_244 : i32 to vector<16xi32>
          %mul3A_246 = arith.muli %mul3A_245, %iota3A : vector<16xi32>
          %add3A_247 = arith.addi %mul3A_243, %mul3A_246 : vector<16xi32>
          %add3A_248 = arith.constant 3 : i32
          %add3A_249 = vector.broadcast %add3A_248 : i32 to vector<16xi32>
          %add3A_250 = arith.addi %add3A_247, %add3A_249 : vector<16xi32>
          tpu.vector_store_idx %arg18[%add3A_233], %add3A_250 masked %and3A_240 : memref<32xi32, #tpu.memory_space<vmem>>[vector<16xi32>], vector<16xi32>, vector<16xi1>
          %add3A_251 = arith.addi %add3A_226, %and3A_232 : vector<16xi32>
          %scan3A_252 = arith.constant 0 : i32
          scf.yield %scan3A_252 : i32
        }
        %scan3A_48 = arith.constant 32 : i32
        %mul3A_49 = arith.constant 8 : i32
        %mul3A_50 = arith.muli %scan3A_36, %mul3A_49 : i32
        %broadcast_in_dim3A_51 = vector.broadcast %mul3A_50 : i32 to vector<16xi32>
        %gather3A = tpu.vector_load_idx %arg17[%broadcast_in_dim3A_51] : memref<128xi32, #tpu.memory_space<vmem>>[vector<16xi32>], vector<16xi32>,
        %get3A = arith.constant 0 : index
        %get3A_52 = tpu.vector_load %arg18[%get3A] {strides = array<i32>} : memref<32xi32, #tpu.memory_space<vmem>>, vector<16xi32>,
        %get3A_53 = arith.constant 16 : index
        %get3A_54 = tpu.vector_load %arg18[%get3A_53] {strides = array<i32>} : memref<32xi32, #tpu.memory_space<vmem>>, vector<16xi32>,
        %mul3A_55 = arith.constant 32 : i32
        %mul3A_56 = arith.muli %scan3A_36, %mul3A_55 : i32
        %swap3A_57 = arith.index_cast %mul3A_56 : i32 to index
        %swap3A_58 = tpu.vector_load %arg19[%swap3A_57] {strides = array<i32>} : memref<512xi32, #tpu.memory_space<vmem>>, vector<16xi32>,
        tpu.vector_store %arg19[%swap3A_57], %get3A_52 {strides = array<i32>} : memref<512xi32, #tpu.memory_space<vmem>>, vector<16xi32>,
        %mul3A_59 = arith.constant 32 : i32
        %mul3A_60 = arith.muli %scan3A_36, %mul3A_59 : i32
        %add3A_61 = arith.constant 16 : i32
        %add3A_62 = arith.addi %mul3A_60, %add3A_61 : i32
        %swap3A_63 = arith.index_cast %add3A_62 : i32 to index
        %swap3A_64 = tpu.vector_load %arg19[%swap3A_63] {strides = array<i32>} : memref<512xi32, #tpu.memory_space<vmem>>, vector<16xi32>,
        tpu.vector_store %arg19[%swap3A_63], %get3A_54 {strides = array<i32>} : memref<512xi32, #tpu.memory_space<vmem>>, vector<16xi32>,
        %add3A_65 = arith.constant 0 : i32
        %add3A_66 = vector.broadcast %add3A_65 : i32 to vector<16xi32>
        %add3A_67 = arith.addi %iota3A, %add3A_66 : vector<16xi32>
        %lt3A = arith.cmpi slt, %add3A_67, %gather3A : vector<16xi32>
        %gather3A_68 = tpu.vector_load_idx %arg11[%get3A_52] : memref<8192xf32, #tpu.memory_space<vmem>>[vector<16xi32>], vector<16xf32>,
        %jit3A = arith.constant 0.000000e+00 : f32
        %broadcast_in_dim3A_69 = vector.broadcast %jit3A : f32 to vector<16xf32>
        %select_n3A = arith.select %lt3A, %gather3A_68, %broadcast_in_dim3A_69 : vector<16xi1>, vector<16xf32>
        %gather3A_70 = tpu.vector_load_idx %arg12[%get3A_52] : memref<8192xf32, #tpu.memory_space<vmem>>[vector<16xi32>], vector<16xf32>,
        %jit3A_71 = arith.constant 0.000000e+00 : f32
        %broadcast_in_dim3A_72 = vector.broadcast %jit3A_71 : f32 to vector<16xf32>
        %select_n3A_73 = arith.select %lt3A, %gather3A_70, %broadcast_in_dim3A_72 : vector<16xi1>, vector<16xf32>
        %gather3A_74 = tpu.vector_load_idx %arg13[%get3A_52] : memref<8192xf32, #tpu.memory_space<vmem>>[vector<16xi32>], vector<16xf32>,
        %jit3A_75 = arith.constant 0.000000e+00 : f32
        %broadcast_in_dim3A_76 = vector.broadcast %jit3A_75 : f32 to vector<16xf32>
        %select_n3A_77 = arith.select %lt3A, %gather3A_74, %broadcast_in_dim3A_76 : vector<16xi1>, vector<16xf32>
        %mul3A_78 = arith.constant 96 : i32
        %mul3A_79 = arith.muli %scan3A_36, %mul3A_78 : i32
        %add3A_80 = arith.constant 0 : i32
        %add3A_81 = vector.broadcast %add3A_80 : i32 to vector<16xi32>
        %add3A_82 = arith.addi %iota3A, %add3A_81 : vector<16xi32>
        %mul3A_83 = arith.constant 3 : i32
        %mul3A_84 = vector.broadcast %mul3A_83 : i32 to vector<16xi32>
        %mul3A_85 = arith.muli %add3A_82, %mul3A_84 : vector<16xi32>
        %add3A_86 = vector.broadcast %mul3A_79 : i32 to vector<16xi32>
        %add3A_87 = arith.addi %add3A_86, %mul3A_85 : vector<16xi32>
        tpu.vector_store_idx %arg20[%add3A_87], %select_n3A : memref<1536xf32, #tpu.memory_space<vmem>>[vector<16xi32>], vector<16xf32>,
        %add3A_88 = arith.constant 1 : i32
        %add3A_89 = vector.broadcast %add3A_88 : i32 to vector<16xi32>
        %add3A_90 = arith.addi %add3A_87, %add3A_89 : vector<16xi32>
        tpu.vector_store_idx %arg20[%add3A_90], %select_n3A_73 : memref<1536xf32, #tpu.memory_space<vmem>>[vector<16xi32>], vector<16xf32>,
        %add3A_91 = arith.constant 2 : i32
        %add3A_92 = vector.broadcast %add3A_91 : i32 to vector<16xi32>
        %add3A_93 = arith.addi %add3A_87, %add3A_92 : vector<16xi32>
        tpu.vector_store_idx %arg20[%add3A_93], %select_n3A_77 : memref<1536xf32, #tpu.memory_space<vmem>>[vector<16xi32>], vector<16xf32>,
        %add3A_94 = arith.constant 16 : i32
        %add3A_95 = vector.broadcast %add3A_94 : i32 to vector<16xi32>
        %add3A_96 = arith.addi %iota3A, %add3A_95 : vector<16xi32>
        %lt3A_97 = arith.cmpi slt, %add3A_96, %gather3A : vector<16xi32>
        %gather3A_98 = tpu.vector_load_idx %arg11[%get3A_54] : memref<8192xf32, #tpu.memory_space<vmem>>[vector<16xi32>], vector<16xf32>,
        %jit3A_99 = arith.constant 0.000000e+00 : f32
        %broadcast_in_dim3A_100 = vector.broadcast %jit3A_99 : f32 to vector<16xf32>
        %select_n3A_101 = arith.select %lt3A_97, %gather3A_98, %broadcast_in_dim3A_100 : vector<16xi1>, vector<16xf32>
        %gather3A_102 = tpu.vector_load_idx %arg12[%get3A_54] : memref<8192xf32, #tpu.memory_space<vmem>>[vector<16xi32>], vector<16xf32>,
        %jit3A_103 = arith.constant 0.000000e+00 : f32
        %broadcast_in_dim3A_104 = vector.broadcast %jit3A_103 : f32 to vector<16xf32>
        %select_n3A_105 = arith.select %lt3A_97, %gather3A_102, %broadcast_in_dim3A_104 : vector<16xi1>, vector<16xf32>
        %gather3A_106 = tpu.vector_load_idx %arg13[%get3A_54] : memref<8192xf32, #tpu.memory_space<vmem>>[vector<16xi32>], vector<16xf32>,
        %jit3A_107 = arith.constant 0.000000e+00 : f32
        %broadcast_in_dim3A_108 = vector.broadcast %jit3A_107 : f32 to vector<16xf32>
        %select_n3A_109 = arith.select %lt3A_97, %gather3A_106, %broadcast_in_dim3A_108 : vector<16xi1>, vector<16xf32>
        %mul3A_110 = arith.constant 96 : i32
        %mul3A_111 = arith.muli %scan3A_36, %mul3A_110 : i32
        %add3A_112 = arith.constant 16 : i32
        %add3A_113 = vector.broadcast %add3A_112 : i32 to vector<16xi32>
        %add3A_114 = arith.addi %iota3A, %add3A_113 : vector<16xi32>
        %mul3A_115 = arith.constant 3 : i32
        %mul3A_116 = vector.broadcast %mul3A_115 : i32 to vector<16xi32>
        %mul3A_117 = arith.muli %add3A_114, %mul3A_116 : vector<16xi32>
        %add3A_118 = vector.broadcast %mul3A_111 : i32 to vector<16xi32>
        %add3A_119 = arith.addi %add3A_118, %mul3A_117 : vector<16xi32>
        tpu.vector_store_idx %arg20[%add3A_119], %select_n3A_101 : memref<1536xf32, #tpu.memory_space<vmem>>[vector<16xi32>], vector<16xf32>,
        %add3A_120 = arith.constant 1 : i32
        %add3A_121 = vector.broadcast %add3A_120 : i32 to vector<16xi32>
        %add3A_122 = arith.addi %add3A_119, %add3A_121 : vector<16xi32>
        tpu.vector_store_idx %arg20[%add3A_122], %select_n3A_105 : memref<1536xf32, #tpu.memory_space<vmem>>[vector<16xi32>], vector<16xf32>,
        %add3A_123 = arith.constant 2 : i32
        %add3A_124 = vector.broadcast %add3A_123 : i32 to vector<16xi32>
        %add3A_125 = arith.addi %add3A_119, %add3A_124 : vector<16xi32>
        tpu.vector_store_idx %arg20[%add3A_125], %select_n3A_109 : memref<1536xf32, #tpu.memory_space<vmem>>[vector<16xi32>], vector<16xf32>,
        %scan3A_126 = arith.constant 0 : i32
        scf.yield %scan3A_126 : i32
      }
      %scan3A_28 = arith.constant 16 : i32
      %mul3A_29 = arith.constant 32 : i32
      %mul3A_30 = arith.muli %add3A_13, %mul3A_29 : i32
      "tpu.region"() ({
        %run_scoped3A = tpu.sem_alloc : memref<!tpu.dma_semaphore, #tpu.memory_space<semaphore_mem>>
        %dma_start3A = tpu.memref_slice %arg9[%mul3A_30] : memref<131072xi32, #tpu.memory_space<hbm>> -> memref<512xi32, #tpu.memory_space<hbm>>
        %dma_start3A_36 = tpu.memref_slice %arg9[%mul3A_30] : memref<131072xi32, #tpu.memory_space<hbm>> -> memref<512xi32, #tpu.memory_space<hbm>>
        tpu.enqueue_dma source(%arg19 : memref<512xi32, #tpu.memory_space<vmem>>) target(%dma_start3A_36 : memref<512xi32, #tpu.memory_space<hbm>>) target_semaphore(%run_scoped3A : memref<!tpu.dma_semaphore, #tpu.memory_space<semaphore_mem>>)
        %dma_wait3A = tpu.memref_slice %arg9[%mul3A_30] : memref<131072xi32, #tpu.memory_space<hbm>> -> memref<512xi32, #tpu.memory_space<hbm>>
        %dma_wait3A_37 = tpu.memref_slice %arg9[%mul3A_30] : memref<131072xi32, #tpu.memory_space<hbm>> -> memref<512xi32, #tpu.memory_space<hbm>>
        tpu.wait_dma2 semaphore(%run_scoped3A : memref<!tpu.dma_semaphore, #tpu.memory_space<semaphore_mem>>) src(%arg19 : memref<512xi32, #tpu.memory_space<vmem>>) dst(%dma_wait3A_37 : memref<512xi32, #tpu.memory_space<hbm>>)
        tpu.yield
      }) : () -> ()
      %mul3A_31 = arith.constant 3 : i32
      %mul3A_32 = arith.muli %add3A_13, %mul3A_31 : i32
      %mul3A_33 = arith.constant 32 : i32
      %mul3A_34 = arith.muli %mul3A_32, %mul3A_33 : i32
      "tpu.region"() ({
        %run_scoped3A = tpu.sem_alloc : memref<!tpu.dma_semaphore, #tpu.memory_space<semaphore_mem>>
        %dma_start3A = tpu.memref_slice %arg10[%mul3A_34] : memref<393216xf32, #tpu.memory_space<hbm>> -> memref<1536xf32, #tpu.memory_space<hbm>>
        %dma_start3A_36 = tpu.memref_slice %arg10[%mul3A_34] : memref<393216xf32, #tpu.memory_space<hbm>> -> memref<1536xf32, #tpu.memory_space<hbm>>
        tpu.enqueue_dma source(%arg20 : memref<1536xf32, #tpu.memory_space<vmem>>) target(%dma_start3A_36 : memref<1536xf32, #tpu.memory_space<hbm>>) target_semaphore(%run_scoped3A : memref<!tpu.dma_semaphore, #tpu.memory_space<semaphore_mem>>)
        %dma_wait3A = tpu.memref_slice %arg10[%mul3A_34] : memref<393216xf32, #tpu.memory_space<hbm>> -> memref<1536xf32, #tpu.memory_space<hbm>>
        %dma_wait3A_37 = tpu.memref_slice %arg10[%mul3A_34] : memref<393216xf32, #tpu.memory_space<hbm>> -> memref<1536xf32, #tpu.memory_space<hbm>>
        tpu.wait_dma2 semaphore(%run_scoped3A : memref<!tpu.dma_semaphore, #tpu.memory_space<semaphore_mem>>) src(%arg20 : memref<1536xf32, #tpu.memory_space<vmem>>) dst(%dma_wait3A_37 : memref<1536xf32, #tpu.memory_space<hbm>>)
        tpu.yield
      }) : () -> ()
      %scan3A_35 = arith.constant 0 : i32
      scf.yield %scan3A_35 : i32
    }
    %scan3A_8 = arith.constant 8 : i32
    return
  }
}

module attributes {stable_mosaic.version = 14 : i64} {
  func.func @_tc_mask_kernel(%arg0: i32, %arg1: memref<256x128xf32, #tpu.memory_space<vmem>>, %arg2: memref<128x8192xf32, #tpu.memory_space<vmem>>, %arg3: memref<256x8xf32, #tpu.memory_space<vmem>>, %arg4: memref<8192x128xf32, #tpu.memory_space<vmem>>, %arg5: memref<128x128xf32, #tpu.memory_space<vmem>>, %arg6: memref<256x8192xi8, #tpu.memory_space<vmem>>, %arg7: memref<256x8xi32, #tpu.memory_space<vmem>>, %arg8: memref<256x32xi32, #tpu.memory_space<vmem>>, %arg9: memref<256x32xi32, #tpu.memory_space<vmem>>) attributes {dimension_semantics = [#tpu.dimension_semantics<arbitrary>], iteration_bounds = array<i64: 16>, scalar_prefetch = 0 : i64, scratch_operands = 0 : i64, tpu.core_type = #tpu.core_type<tc>, window_params = [{transform_indices = @transform_0, window_bounds = array<i64: 256, 128>}, {pipeline_mode = #tpu.pipeline_mode<synchronous>, transform_indices = @transform_1, window_bounds = array<i64: 128, 8192>}, {transform_indices = @transform_2, window_bounds = array<i64: 256, 8>}, {pipeline_mode = #tpu.pipeline_mode<synchronous>, transform_indices = @transform_3, window_bounds = array<i64: 8192, 128>}, {pipeline_mode = #tpu.pipeline_mode<synchronous>, transform_indices = @transform_4, window_bounds = array<i64: 128, 128>}, {transform_indices = @transform_5, window_bounds = array<i64: 256, 8192>}, {transform_indices = @transform_6, window_bounds = array<i64: 256, 8>}, {transform_indices = @transform_7, window_bounds = array<i64: 256, 32>}, {transform_indices = @transform_8, window_bounds = array<i64: 256, 32>}]} {
    %get3A = arith.constant 0 : index
    %get3A_0 = arith.constant 0 : index
    %get3A_1 = vector.load %arg1[%get3A, %get3A_0] : memref<256x128xf32, #tpu.memory_space<vmem>>, vector<256x128xf32>
    %get3A_2 = arith.constant 0 : index
    %get3A_3 = arith.constant 0 : index
    %get3A_4 = vector.load %arg2[%get3A_2, %get3A_3] : memref<128x8192xf32, #tpu.memory_space<vmem>>, vector<128x8192xf32>
    %get3A_5 = arith.constant 0 : index
    %get3A_6 = arith.constant 0 : index
    %get3A_7 = vector.load %arg3[%get3A_5, %get3A_6] : memref<256x8xf32, #tpu.memory_space<vmem>>, vector<256x1xf32>
    %mul3A = arith.mulf %get3A_4, %get3A_4 : vector<128x8192xf32>
    %reduce_sum3A = arith.constant dense<0.000000e+00> : vector<8192xf32>
    %reduce_sum3A_8 = vector.multi_reduction <add>, %mul3A, %reduce_sum3A [0] : vector<128x8192xf32> to vector<8192xf32>
    %broadcast_in_dim3A = vector.shape_cast %reduce_sum3A_8 : vector<8192xf32> to vector<1x8192xf32>
    %dot_general3A = arith.constant dense<0.000000e+00> : vector<256x8192xf32>
    %dot_general3A_9 = tpu.matmul %get3A_1, %get3A_4, %dot_general3A {dimension_numbers = #tpu.dot_dimension_numbers<[1], [0], [0], [1], [0, 0, 1, 1], [], []>, transpose_lhs_hint = false} : vector<256x128xf32>, vector<128x8192xf32>, vector<256x8192xf32> -> vector<256x8192xf32>
    %add3A = vector.broadcast %get3A_7 : vector<256x1xf32> to vector<256x8192xf32>
    %add3A_10 = vector.broadcast %broadcast_in_dim3A : vector<1x8192xf32> to vector<256x8192xf32>
    %add3A_11 = arith.addf %add3A, %add3A_10 : vector<256x8192xf32>
    %mul3A_12 = arith.constant 2.000000e+00 : f32
    %mul3A_13 = vector.broadcast %mul3A_12 : f32 to vector<256x8192xf32>
    %mul3A_14 = arith.mulf %mul3A_13, %dot_general3A_9 : vector<256x8192xf32>
    %sub3A = arith.subf %add3A_11, %mul3A_14 : vector<256x8192xf32>
    %max3A = arith.constant 0.000000e+00 : f32
    %max3A_15 = vector.broadcast %max3A : f32 to vector<256x8192xf32>
    %max3A_16 = arith.maximumf %sub3A, %max3A_15 : vector<256x8192xf32>
    %sqrt3A = math.sqrt %max3A_16 : vector<256x8192xf32>
    %le3A = arith.constant 1.200000e-01 : f32
    %le3A_17 = vector.broadcast %le3A : f32 to vector<256x8192xf32>
    %le3A_18 = arith.cmpf ole, %sqrt3A, %le3A_17 : vector<256x8192xf32>
    %convert_element_type3A = arith.extui %le3A_18 : vector<256x8192xi1> to vector<256x8192xi8>
    %swap3A = arith.constant 0 : index
    %swap3A_19 = arith.constant 0 : index
    %swap3A_20 = vector.load %arg6[%swap3A, %swap3A_19] : memref<256x8192xi8, #tpu.memory_space<vmem>>, vector<256x8192xi8>
    tpu.vector_store %arg6[%swap3A, %swap3A_19], %convert_element_type3A {strides = array<i32>} : memref<256x8192xi8, #tpu.memory_space<vmem>>, vector<256x8192xi8>,
    %convert_element_type3A_21 = arith.extui %le3A_18 : vector<256x8192xi1> to vector<256x8192xi32>
    %reduce_sum3A_22 = arith.constant dense<0> : vector<256xi32>
    %reduce_sum3A_23 = vector.multi_reduction <add>, %convert_element_type3A_21, %reduce_sum3A_22 [1] : vector<256x8192xi32> to vector<256xi32>
    %min3A = arith.constant 32 : i32
    %min3A_24 = vector.broadcast %min3A : i32 to vector<256xi32>
    %min3A_25 = arith.minsi %reduce_sum3A_23, %min3A_24 : vector<256xi32>
    %broadcast_in_dim3A_26 = vector.shape_cast %min3A_25 : vector<256xi32> to vector<256x1xi32>
    %broadcast_in_dim3A_27 = vector.shape_cast %broadcast_in_dim3A_26 : vector<256x1xi32> to vector<256x1xi32>
    %broadcast_in_dim3A_28 = vector.broadcast %broadcast_in_dim3A_27 : vector<256x1xi32> to vector<256x8xi32>
    %swap3A_29 = arith.constant 0 : index
    %swap3A_30 = arith.constant 0 : index
    %swap3A_31 = vector.load %arg7[%swap3A_29, %swap3A_30] : memref<256x8xi32, #tpu.memory_space<vmem>>, vector<256x8xi32>
    tpu.vector_store %arg7[%swap3A_29, %swap3A_30], %broadcast_in_dim3A_28 {strides = array<i32>} : memref<256x8xi32, #tpu.memory_space<vmem>>, vector<256x8xi32>,
    %convert_element_type3A_32 = arith.extui %le3A_18 : vector<256x8192xi1> to vector<256x8192xi32>
    %convert_element_type3A_33 = arith.sitofp %convert_element_type3A_32 : vector<256x8192xi32> to vector<256x8192xf32>
    %get3A_34 = arith.constant 0 : index
    %get3A_35 = arith.constant 0 : index
    %get3A_36 = vector.load %arg4[%get3A_34, %get3A_35] : memref<8192x128xf32, #tpu.memory_space<vmem>>, vector<8192x128xf32>
    %dot_general3A_37 = arith.constant dense<0.000000e+00> : vector<256x128xf32>
    %dot_general3A_38 = tpu.matmul %convert_element_type3A_33, %get3A_36, %dot_general3A_37 {dimension_numbers = #tpu.dot_dimension_numbers<[1], [0], [0], [1], [0, 0, 1, 1], [], []>, transpose_lhs_hint = false} : vector<256x8192xf32>, vector<8192x128xf32>, vector<256x128xf32> -> vector<256x128xf32>
    %get3A_39 = arith.constant 0 : index
    %get3A_40 = arith.constant 0 : index
    %get3A_41 = vector.load %arg5[%get3A_39, %get3A_40] : memref<128x128xf32, #tpu.memory_space<vmem>>, vector<128x128xf32>
    %dot_general3A_42 = arith.constant dense<0.000000e+00> : vector<256x128xf32>
    %dot_general3A_43 = tpu.matmul %dot_general3A_38, %get3A_41, %dot_general3A_42 {dimension_numbers = #tpu.dot_dimension_numbers<[1], [0], [0], [1], [0, 0, 1, 1], [], []>, transpose_lhs_hint = false} : vector<256x128xf32>, vector<128x128xf32>, vector<256x128xf32> -> vector<256x128xf32>
    %gt3A = arith.constant 0.000000e+00 : f32
    %gt3A_44 = vector.broadcast %gt3A : f32 to vector<256x128xf32>
    %gt3A_45 = arith.cmpf ogt, %dot_general3A_38, %gt3A_44 : vector<256x128xf32>
    %lt3A = arith.constant 3.200000e+01 : f32
    %lt3A_46 = vector.broadcast %lt3A : f32 to vector<256x128xf32>
    %lt3A_47 = arith.cmpf olt, %dot_general3A_43, %lt3A_46 : vector<256x128xf32>
    %and3A = arith.andi %gt3A_45, %lt3A_47 : vector<256x128xi1>
    %convert_element_type3A_48 = arith.extui %and3A : vector<256x128xi1> to vector<256x128xi32>
    %convert_element_type3A_49 = arith.sitofp %convert_element_type3A_48 : vector<256x128xi32> to vector<256x128xf32>
    %get3A_50 = arith.constant 0 : index
    %get3A_51 = arith.constant 0 : index
    %get3A_52 = vector.load %arg5[%get3A_50, %get3A_51] : memref<128x128xf32, #tpu.memory_space<vmem>>, vector<128x128xf32>
    %dot_general3A_53 = arith.constant dense<0.000000e+00> : vector<256x128xf32>
    %dot_general3A_54 = tpu.matmul %convert_element_type3A_49, %get3A_52, %dot_general3A_53 {dimension_numbers = #tpu.dot_dimension_numbers<[1], [0], [0], [1], [0, 0, 1, 1], [], []>, transpose_lhs_hint = false} : vector<256x128xf32>, vector<128x128xf32>, vector<256x128xf32> -> vector<256x128xf32>
    %iota3A = tpu.iota {dimensions = array<i32: 1>} : vector<256x128xi32>
    %convert_element_type3A_55 = arith.sitofp %iota3A : vector<256x128xi32> to vector<256x128xf32>
    %iota3A_56 = tpu.iota {dimensions = array<i32: 1>} : vector<256x32xi32>
    %convert_element_type3A_57 = arith.sitofp %iota3A_56 : vector<256x32xi32> to vector<256x32xf32>
    %broadcast_in_dim3A_58 = arith.constant 0.000000e+00 : f32
    %broadcast_in_dim3A_59 = vector.broadcast %broadcast_in_dim3A_58 : f32 to vector<256x32xf32>
    %broadcast_in_dim3A_60 = arith.constant 0.000000e+00 : f32
    %broadcast_in_dim3A_61 = vector.broadcast %broadcast_in_dim3A_60 : f32 to vector<256x32xf32>
    %eq3A = arith.constant 0.000000e+00 : f32
    %eq3A_62 = vector.broadcast %eq3A : f32 to vector<256x128xf32>
    %eq3A_63 = arith.cmpf oeq, %dot_general3A_54, %eq3A_62 : vector<256x128xf32>
    %and3A_64 = arith.andi %and3A, %eq3A_63 : vector<256x128xi1>
    %jit3A = arith.constant 0.000000e+00 : f32
    %broadcast_in_dim3A_65 = vector.broadcast %jit3A : f32 to vector<256x128xf32>
    %select_n3A = arith.select %and3A_64, %convert_element_type3A_55, %broadcast_in_dim3A_65 : vector<256x128xi1>, vector<256x128xf32>
    %reduce_sum3A_66 = arith.constant dense<0.000000e+00> : vector<256xf32>
    %reduce_sum3A_67 = vector.multi_reduction <add>, %select_n3A, %reduce_sum3A_66 [1] : vector<256x128xf32> to vector<256xf32>
    %broadcast_in_dim3A_68 = vector.shape_cast %reduce_sum3A_67 : vector<256xf32> to vector<256x1xf32>
    %jit3A_69 = arith.constant 0.000000e+00 : f32
    %broadcast_in_dim3A_70 = vector.broadcast %jit3A_69 : f32 to vector<256x128xf32>
    %select_n3A_71 = arith.select %and3A_64, %dot_general3A_43, %broadcast_in_dim3A_70 : vector<256x128xi1>, vector<256x128xf32>
    %reduce_sum3A_72 = arith.constant dense<0.000000e+00> : vector<256xf32>
    %reduce_sum3A_73 = vector.multi_reduction <add>, %select_n3A_71, %reduce_sum3A_72 [1] : vector<256x128xf32> to vector<256xf32>
    %broadcast_in_dim3A_74 = vector.shape_cast %reduce_sum3A_73 : vector<256xf32> to vector<256x1xf32>
    %eq3A_75 = arith.constant 0.000000e+00 : f32
    %eq3A_76 = vector.broadcast %eq3A_75 : f32 to vector<256x32xf32>
    %eq3A_77 = arith.cmpf oeq, %convert_element_type3A_57, %eq3A_76 : vector<256x32xf32>
    %convert_element_type3A_78 = arith.extui %eq3A_77 : vector<256x32xi1> to vector<256x32xi32>
    %convert_element_type3A_79 = arith.sitofp %convert_element_type3A_78 : vector<256x32xi32> to vector<256x32xf32>
    %mul3A_80 = vector.broadcast %broadcast_in_dim3A_68 : vector<256x1xf32> to vector<256x32xf32>
    %mul3A_81 = arith.mulf %mul3A_80, %convert_element_type3A_79 : vector<256x32xf32>
    %add3A_82 = arith.addf %broadcast_in_dim3A_59, %mul3A_81 : vector<256x32xf32>
    %mul3A_83 = vector.broadcast %broadcast_in_dim3A_74 : vector<256x1xf32> to vector<256x32xf32>
    %mul3A_84 = arith.mulf %mul3A_83, %convert_element_type3A_79 : vector<256x32xf32>
    %add3A_85 = arith.addf %broadcast_in_dim3A_61, %mul3A_84 : vector<256x32xf32>
    %eq3A_86 = arith.constant 1.000000e+00 : f32
    %eq3A_87 = vector.broadcast %eq3A_86 : f32 to vector<256x128xf32>
    %eq3A_88 = arith.cmpf oeq, %dot_general3A_54, %eq3A_87 : vector<256x128xf32>
    %and3A_89 = arith.andi %and3A, %eq3A_88 : vector<256x128xi1>
    %jit3A_90 = arith.constant 0.000000e+00 : f32
    %broadcast_in_dim3A_91 = vector.broadcast %jit3A_90 : f32 to vector<256x128xf32>
    %select_n3A_92 = arith.select %and3A_89, %convert_element_type3A_55, %broadcast_in_dim3A_91 : vector<256x128xi1>, vector<256x128xf32>
    %reduce_sum3A_93 = arith.constant dense<0.000000e+00> : vector<256xf32>
    %reduce_sum3A_94 = vector.multi_reduction <add>, %select_n3A_92, %reduce_sum3A_93 [1] : vector<256x128xf32> to vector<256xf32>
    %broadcast_in_dim3A_95 = vector.shape_cast %reduce_sum3A_94 : vector<256xf32> to vector<256x1xf32>
    %jit3A_96 = arith.constant 0.000000e+00 : f32
    %broadcast_in_dim3A_97 = vector.broadcast %jit3A_96 : f32 to vector<256x128xf32>
    %select_n3A_98 = arith.select %and3A_89, %dot_general3A_43, %broadcast_in_dim3A_97 : vector<256x128xi1>, vector<256x128xf32>
    %reduce_sum3A_99 = arith.constant dense<0.000000e+00> : vector<256xf32>
    %reduce_sum3A_100 = vector.multi_reduction <add>, %select_n3A_98, %reduce_sum3A_99 [1] : vector<256x128xf32> to vector<256xf32>
    %broadcast_in_dim3A_101 = vector.shape_cast %reduce_sum3A_100 : vector<256xf32> to vector<256x1xf32>
    %eq3A_102 = arith.constant 1.000000e+00 : f32
    %eq3A_103 = vector.broadcast %eq3A_102 : f32 to vector<256x32xf32>
    %eq3A_104 = arith.cmpf oeq, %convert_element_type3A_57, %eq3A_103 : vector<256x32xf32>
    %convert_element_type3A_105 = arith.extui %eq3A_104 : vector<256x32xi1> to vector<256x32xi32>
    %convert_element_type3A_106 = arith.sitofp %convert_element_type3A_105 : vector<256x32xi32> to vector<256x32xf32>
    %mul3A_107 = vector.broadcast %broadcast_in_dim3A_95 : vector<256x1xf32> to vector<256x32xf32>
    %mul3A_108 = arith.mulf %mul3A_107, %convert_element_type3A_106 : vector<256x32xf32>
    %add3A_109 = arith.addf %add3A_82, %mul3A_108 : vector<256x32xf32>
    %mul3A_110 = vector.broadcast %broadcast_in_dim3A_101 : vector<256x1xf32> to vector<256x32xf32>
    %mul3A_111 = arith.mulf %mul3A_110, %convert_element_type3A_106 : vector<256x32xf32>
    %add3A_112 = arith.addf %add3A_85, %mul3A_111 : vector<256x32xf32>
    %eq3A_113 = arith.constant 2.000000e+00 : f32
    %eq3A_114 = vector.broadcast %eq3A_113 : f32 to vector<256x128xf32>
    %eq3A_115 = arith.cmpf oeq, %dot_general3A_54, %eq3A_114 : vector<256x128xf32>
    %and3A_116 = arith.andi %and3A, %eq3A_115 : vector<256x128xi1>
    %jit3A_117 = arith.constant 0.000000e+00 : f32
    %broadcast_in_dim3A_118 = vector.broadcast %jit3A_117 : f32 to vector<256x128xf32>
    %select_n3A_119 = arith.select %and3A_116, %convert_element_type3A_55, %broadcast_in_dim3A_118 : vector<256x128xi1>, vector<256x128xf32>
    %reduce_sum3A_120 = arith.constant dense<0.000000e+00> : vector<256xf32>
    %reduce_sum3A_121 = vector.multi_reduction <add>, %select_n3A_119, %reduce_sum3A_120 [1] : vector<256x128xf32> to vector<256xf32>
    %broadcast_in_dim3A_122 = vector.shape_cast %reduce_sum3A_121 : vector<256xf32> to vector<256x1xf32>
    %jit3A_123 = arith.constant 0.000000e+00 : f32
    %broadcast_in_dim3A_124 = vector.broadcast %jit3A_123 : f32 to vector<256x128xf32>
    %select_n3A_125 = arith.select %and3A_116, %dot_general3A_43, %broadcast_in_dim3A_124 : vector<256x128xi1>, vector<256x128xf32>
    %reduce_sum3A_126 = arith.constant dense<0.000000e+00> : vector<256xf32>
    %reduce_sum3A_127 = vector.multi_reduction <add>, %select_n3A_125, %reduce_sum3A_126 [1] : vector<256x128xf32> to vector<256xf32>
    %broadcast_in_dim3A_128 = vector.shape_cast %reduce_sum3A_127 : vector<256xf32> to vector<256x1xf32>
    %eq3A_129 = arith.constant 2.000000e+00 : f32
    %eq3A_130 = vector.broadcast %eq3A_129 : f32 to vector<256x32xf32>
    %eq3A_131 = arith.cmpf oeq, %convert_element_type3A_57, %eq3A_130 : vector<256x32xf32>
    %convert_element_type3A_132 = arith.extui %eq3A_131 : vector<256x32xi1> to vector<256x32xi32>
    %convert_element_type3A_133 = arith.sitofp %convert_element_type3A_132 : vector<256x32xi32> to vector<256x32xf32>
    %mul3A_134 = vector.broadcast %broadcast_in_dim3A_122 : vector<256x1xf32> to vector<256x32xf32>
    %mul3A_135 = arith.mulf %mul3A_134, %convert_element_type3A_133 : vector<256x32xf32>
    %add3A_136 = arith.addf %add3A_109, %mul3A_135 : vector<256x32xf32>
    %mul3A_137 = vector.broadcast %broadcast_in_dim3A_128 : vector<256x1xf32> to vector<256x32xf32>
    %mul3A_138 = arith.mulf %mul3A_137, %convert_element_type3A_133 : vector<256x32xf32>
    %add3A_139 = arith.addf %add3A_112, %mul3A_138 : vector<256x32xf32>
    %eq3A_140 = arith.constant 3.000000e+00 : f32
    %eq3A_141 = vector.broadcast %eq3A_140 : f32 to vector<256x128xf32>
    %eq3A_142 = arith.cmpf oeq, %dot_general3A_54, %eq3A_141 : vector<256x128xf32>
    %and3A_143 = arith.andi %and3A, %eq3A_142 : vector<256x128xi1>
    %jit3A_144 = arith.constant 0.000000e+00 : f32
    %broadcast_in_dim3A_145 = vector.broadcast %jit3A_144 : f32 to vector<256x128xf32>
    %select_n3A_146 = arith.select %and3A_143, %convert_element_type3A_55, %broadcast_in_dim3A_145 : vector<256x128xi1>, vector<256x128xf32>
    %reduce_sum3A_147 = arith.constant dense<0.000000e+00> : vector<256xf32>
    %reduce_sum3A_148 = vector.multi_reduction <add>, %select_n3A_146, %reduce_sum3A_147 [1] : vector<256x128xf32> to vector<256xf32>
    %broadcast_in_dim3A_149 = vector.shape_cast %reduce_sum3A_148 : vector<256xf32> to vector<256x1xf32>
    %jit3A_150 = arith.constant 0.000000e+00 : f32
    %broadcast_in_dim3A_151 = vector.broadcast %jit3A_150 : f32 to vector<256x128xf32>
    %select_n3A_152 = arith.select %and3A_143, %dot_general3A_43, %broadcast_in_dim3A_151 : vector<256x128xi1>, vector<256x128xf32>
    %reduce_sum3A_153 = arith.constant dense<0.000000e+00> : vector<256xf32>
    %reduce_sum3A_154 = vector.multi_reduction <add>, %select_n3A_152, %reduce_sum3A_153 [1] : vector<256x128xf32> to vector<256xf32>
    %broadcast_in_dim3A_155 = vector.shape_cast %reduce_sum3A_154 : vector<256xf32> to vector<256x1xf32>
    %eq3A_156 = arith.constant 3.000000e+00 : f32
    %eq3A_157 = vector.broadcast %eq3A_156 : f32 to vector<256x32xf32>
    %eq3A_158 = arith.cmpf oeq, %convert_element_type3A_57, %eq3A_157 : vector<256x32xf32>
    %convert_element_type3A_159 = arith.extui %eq3A_158 : vector<256x32xi1> to vector<256x32xi32>
    %convert_element_type3A_160 = arith.sitofp %convert_element_type3A_159 : vector<256x32xi32> to vector<256x32xf32>
    %mul3A_161 = vector.broadcast %broadcast_in_dim3A_149 : vector<256x1xf32> to vector<256x32xf32>
    %mul3A_162 = arith.mulf %mul3A_161, %convert_element_type3A_160 : vector<256x32xf32>
    %add3A_163 = arith.addf %add3A_136, %mul3A_162 : vector<256x32xf32>
    %mul3A_164 = vector.broadcast %broadcast_in_dim3A_155 : vector<256x1xf32> to vector<256x32xf32>
    %mul3A_165 = arith.mulf %mul3A_164, %convert_element_type3A_160 : vector<256x32xf32>
    %add3A_166 = arith.addf %add3A_139, %mul3A_165 : vector<256x32xf32>
    %eq3A_167 = arith.constant 4.000000e+00 : f32
    %eq3A_168 = vector.broadcast %eq3A_167 : f32 to vector<256x128xf32>
    %eq3A_169 = arith.cmpf oeq, %dot_general3A_54, %eq3A_168 : vector<256x128xf32>
    %and3A_170 = arith.andi %and3A, %eq3A_169 : vector<256x128xi1>
    %jit3A_171 = arith.constant 0.000000e+00 : f32
    %broadcast_in_dim3A_172 = vector.broadcast %jit3A_171 : f32 to vector<256x128xf32>
    %select_n3A_173 = arith.select %and3A_170, %convert_element_type3A_55, %broadcast_in_dim3A_172 : vector<256x128xi1>, vector<256x128xf32>
    %reduce_sum3A_174 = arith.constant dense<0.000000e+00> : vector<256xf32>
    %reduce_sum3A_175 = vector.multi_reduction <add>, %select_n3A_173, %reduce_sum3A_174 [1] : vector<256x128xf32> to vector<256xf32>
    %broadcast_in_dim3A_176 = vector.shape_cast %reduce_sum3A_175 : vector<256xf32> to vector<256x1xf32>
    %jit3A_177 = arith.constant 0.000000e+00 : f32
    %broadcast_in_dim3A_178 = vector.broadcast %jit3A_177 : f32 to vector<256x128xf32>
    %select_n3A_179 = arith.select %and3A_170, %dot_general3A_43, %broadcast_in_dim3A_178 : vector<256x128xi1>, vector<256x128xf32>
    %reduce_sum3A_180 = arith.constant dense<0.000000e+00> : vector<256xf32>
    %reduce_sum3A_181 = vector.multi_reduction <add>, %select_n3A_179, %reduce_sum3A_180 [1] : vector<256x128xf32> to vector<256xf32>
    %broadcast_in_dim3A_182 = vector.shape_cast %reduce_sum3A_181 : vector<256xf32> to vector<256x1xf32>
    %eq3A_183 = arith.constant 4.000000e+00 : f32
    %eq3A_184 = vector.broadcast %eq3A_183 : f32 to vector<256x32xf32>
    %eq3A_185 = arith.cmpf oeq, %convert_element_type3A_57, %eq3A_184 : vector<256x32xf32>
    %convert_element_type3A_186 = arith.extui %eq3A_185 : vector<256x32xi1> to vector<256x32xi32>
    %convert_element_type3A_187 = arith.sitofp %convert_element_type3A_186 : vector<256x32xi32> to vector<256x32xf32>
    %mul3A_188 = vector.broadcast %broadcast_in_dim3A_176 : vector<256x1xf32> to vector<256x32xf32>
    %mul3A_189 = arith.mulf %mul3A_188, %convert_element_type3A_187 : vector<256x32xf32>
    %add3A_190 = arith.addf %add3A_163, %mul3A_189 : vector<256x32xf32>
    %mul3A_191 = vector.broadcast %broadcast_in_dim3A_182 : vector<256x1xf32> to vector<256x32xf32>
    %mul3A_192 = arith.mulf %mul3A_191, %convert_element_type3A_187 : vector<256x32xf32>
    %add3A_193 = arith.addf %add3A_166, %mul3A_192 : vector<256x32xf32>
    %eq3A_194 = arith.constant 5.000000e+00 : f32
    %eq3A_195 = vector.broadcast %eq3A_194 : f32 to vector<256x128xf32>
    %eq3A_196 = arith.cmpf oeq, %dot_general3A_54, %eq3A_195 : vector<256x128xf32>
    %and3A_197 = arith.andi %and3A, %eq3A_196 : vector<256x128xi1>
    %jit3A_198 = arith.constant 0.000000e+00 : f32
    %broadcast_in_dim3A_199 = vector.broadcast %jit3A_198 : f32 to vector<256x128xf32>
    %select_n3A_200 = arith.select %and3A_197, %convert_element_type3A_55, %broadcast_in_dim3A_199 : vector<256x128xi1>, vector<256x128xf32>
    %reduce_sum3A_201 = arith.constant dense<0.000000e+00> : vector<256xf32>
    %reduce_sum3A_202 = vector.multi_reduction <add>, %select_n3A_200, %reduce_sum3A_201 [1] : vector<256x128xf32> to vector<256xf32>
    %broadcast_in_dim3A_203 = vector.shape_cast %reduce_sum3A_202 : vector<256xf32> to vector<256x1xf32>
    %jit3A_204 = arith.constant 0.000000e+00 : f32
    %broadcast_in_dim3A_205 = vector.broadcast %jit3A_204 : f32 to vector<256x128xf32>
    %select_n3A_206 = arith.select %and3A_197, %dot_general3A_43, %broadcast_in_dim3A_205 : vector<256x128xi1>, vector<256x128xf32>
    %reduce_sum3A_207 = arith.constant dense<0.000000e+00> : vector<256xf32>
    %reduce_sum3A_208 = vector.multi_reduction <add>, %select_n3A_206, %reduce_sum3A_207 [1] : vector<256x128xf32> to vector<256xf32>
    %broadcast_in_dim3A_209 = vector.shape_cast %reduce_sum3A_208 : vector<256xf32> to vector<256x1xf32>
    %eq3A_210 = arith.constant 5.000000e+00 : f32
    %eq3A_211 = vector.broadcast %eq3A_210 : f32 to vector<256x32xf32>
    %eq3A_212 = arith.cmpf oeq, %convert_element_type3A_57, %eq3A_211 : vector<256x32xf32>
    %convert_element_type3A_213 = arith.extui %eq3A_212 : vector<256x32xi1> to vector<256x32xi32>
    %convert_element_type3A_214 = arith.sitofp %convert_element_type3A_213 : vector<256x32xi32> to vector<256x32xf32>
    %mul3A_215 = vector.broadcast %broadcast_in_dim3A_203 : vector<256x1xf32> to vector<256x32xf32>
    %mul3A_216 = arith.mulf %mul3A_215, %convert_element_type3A_214 : vector<256x32xf32>
    %add3A_217 = arith.addf %add3A_190, %mul3A_216 : vector<256x32xf32>
    %mul3A_218 = vector.broadcast %broadcast_in_dim3A_209 : vector<256x1xf32> to vector<256x32xf32>
    %mul3A_219 = arith.mulf %mul3A_218, %convert_element_type3A_214 : vector<256x32xf32>
    %add3A_220 = arith.addf %add3A_193, %mul3A_219 : vector<256x32xf32>
    %eq3A_221 = arith.constant 6.000000e+00 : f32
    %eq3A_222 = vector.broadcast %eq3A_221 : f32 to vector<256x128xf32>
    %eq3A_223 = arith.cmpf oeq, %dot_general3A_54, %eq3A_222 : vector<256x128xf32>
    %and3A_224 = arith.andi %and3A, %eq3A_223 : vector<256x128xi1>
    %jit3A_225 = arith.constant 0.000000e+00 : f32
    %broadcast_in_dim3A_226 = vector.broadcast %jit3A_225 : f32 to vector<256x128xf32>
    %select_n3A_227 = arith.select %and3A_224, %convert_element_type3A_55, %broadcast_in_dim3A_226 : vector<256x128xi1>, vector<256x128xf32>
    %reduce_sum3A_228 = arith.constant dense<0.000000e+00> : vector<256xf32>
    %reduce_sum3A_229 = vector.multi_reduction <add>, %select_n3A_227, %reduce_sum3A_228 [1] : vector<256x128xf32> to vector<256xf32>
    %broadcast_in_dim3A_230 = vector.shape_cast %reduce_sum3A_229 : vector<256xf32> to vector<256x1xf32>
    %jit3A_231 = arith.constant 0.000000e+00 : f32
    %broadcast_in_dim3A_232 = vector.broadcast %jit3A_231 : f32 to vector<256x128xf32>
    %select_n3A_233 = arith.select %and3A_224, %dot_general3A_43, %broadcast_in_dim3A_232 : vector<256x128xi1>, vector<256x128xf32>
    %reduce_sum3A_234 = arith.constant dense<0.000000e+00> : vector<256xf32>
    %reduce_sum3A_235 = vector.multi_reduction <add>, %select_n3A_233, %reduce_sum3A_234 [1] : vector<256x128xf32> to vector<256xf32>
    %broadcast_in_dim3A_236 = vector.shape_cast %reduce_sum3A_235 : vector<256xf32> to vector<256x1xf32>
    %eq3A_237 = arith.constant 6.000000e+00 : f32
    %eq3A_238 = vector.broadcast %eq3A_237 : f32 to vector<256x32xf32>
    %eq3A_239 = arith.cmpf oeq, %convert_element_type3A_57, %eq3A_238 : vector<256x32xf32>
    %convert_element_type3A_240 = arith.extui %eq3A_239 : vector<256x32xi1> to vector<256x32xi32>
    %convert_element_type3A_241 = arith.sitofp %convert_element_type3A_240 : vector<256x32xi32> to vector<256x32xf32>
    %mul3A_242 = vector.broadcast %broadcast_in_dim3A_230 : vector<256x1xf32> to vector<256x32xf32>
    %mul3A_243 = arith.mulf %mul3A_242, %convert_element_type3A_241 : vector<256x32xf32>
    %add3A_244 = arith.addf %add3A_217, %mul3A_243 : vector<256x32xf32>
    %mul3A_245 = vector.broadcast %broadcast_in_dim3A_236 : vector<256x1xf32> to vector<256x32xf32>
    %mul3A_246 = arith.mulf %mul3A_245, %convert_element_type3A_241 : vector<256x32xf32>
    %add3A_247 = arith.addf %add3A_220, %mul3A_246 : vector<256x32xf32>
    %eq3A_248 = arith.constant 7.000000e+00 : f32
    %eq3A_249 = vector.broadcast %eq3A_248 : f32 to vector<256x128xf32>
    %eq3A_250 = arith.cmpf oeq, %dot_general3A_54, %eq3A_249 : vector<256x128xf32>
    %and3A_251 = arith.andi %and3A, %eq3A_250 : vector<256x128xi1>
    %jit3A_252 = arith.constant 0.000000e+00 : f32
    %broadcast_in_dim3A_253 = vector.broadcast %jit3A_252 : f32 to vector<256x128xf32>
    %select_n3A_254 = arith.select %and3A_251, %convert_element_type3A_55, %broadcast_in_dim3A_253 : vector<256x128xi1>, vector<256x128xf32>
    %reduce_sum3A_255 = arith.constant dense<0.000000e+00> : vector<256xf32>
    %reduce_sum3A_256 = vector.multi_reduction <add>, %select_n3A_254, %reduce_sum3A_255 [1] : vector<256x128xf32> to vector<256xf32>
    %broadcast_in_dim3A_257 = vector.shape_cast %reduce_sum3A_256 : vector<256xf32> to vector<256x1xf32>
    %jit3A_258 = arith.constant 0.000000e+00 : f32
    %broadcast_in_dim3A_259 = vector.broadcast %jit3A_258 : f32 to vector<256x128xf32>
    %select_n3A_260 = arith.select %and3A_251, %dot_general3A_43, %broadcast_in_dim3A_259 : vector<256x128xi1>, vector<256x128xf32>
    %reduce_sum3A_261 = arith.constant dense<0.000000e+00> : vector<256xf32>
    %reduce_sum3A_262 = vector.multi_reduction <add>, %select_n3A_260, %reduce_sum3A_261 [1] : vector<256x128xf32> to vector<256xf32>
    %broadcast_in_dim3A_263 = vector.shape_cast %reduce_sum3A_262 : vector<256xf32> to vector<256x1xf32>
    %eq3A_264 = arith.constant 7.000000e+00 : f32
    %eq3A_265 = vector.broadcast %eq3A_264 : f32 to vector<256x32xf32>
    %eq3A_266 = arith.cmpf oeq, %convert_element_type3A_57, %eq3A_265 : vector<256x32xf32>
    %convert_element_type3A_267 = arith.extui %eq3A_266 : vector<256x32xi1> to vector<256x32xi32>
    %convert_element_type3A_268 = arith.sitofp %convert_element_type3A_267 : vector<256x32xi32> to vector<256x32xf32>
    %mul3A_269 = vector.broadcast %broadcast_in_dim3A_257 : vector<256x1xf32> to vector<256x32xf32>
    %mul3A_270 = arith.mulf %mul3A_269, %convert_element_type3A_268 : vector<256x32xf32>
    %add3A_271 = arith.addf %add3A_244, %mul3A_270 : vector<256x32xf32>
    %mul3A_272 = vector.broadcast %broadcast_in_dim3A_263 : vector<256x1xf32> to vector<256x32xf32>
    %mul3A_273 = arith.mulf %mul3A_272, %convert_element_type3A_268 : vector<256x32xf32>
    %add3A_274 = arith.addf %add3A_247, %mul3A_273 : vector<256x32xf32>
    %eq3A_275 = arith.constant 8.000000e+00 : f32
    %eq3A_276 = vector.broadcast %eq3A_275 : f32 to vector<256x128xf32>
    %eq3A_277 = arith.cmpf oeq, %dot_general3A_54, %eq3A_276 : vector<256x128xf32>
    %and3A_278 = arith.andi %and3A, %eq3A_277 : vector<256x128xi1>
    %jit3A_279 = arith.constant 0.000000e+00 : f32
    %broadcast_in_dim3A_280 = vector.broadcast %jit3A_279 : f32 to vector<256x128xf32>
    %select_n3A_281 = arith.select %and3A_278, %convert_element_type3A_55, %broadcast_in_dim3A_280 : vector<256x128xi1>, vector<256x128xf32>
    %reduce_sum3A_282 = arith.constant dense<0.000000e+00> : vector<256xf32>
    %reduce_sum3A_283 = vector.multi_reduction <add>, %select_n3A_281, %reduce_sum3A_282 [1] : vector<256x128xf32> to vector<256xf32>
    %broadcast_in_dim3A_284 = vector.shape_cast %reduce_sum3A_283 : vector<256xf32> to vector<256x1xf32>
    %jit3A_285 = arith.constant 0.000000e+00 : f32
    %broadcast_in_dim3A_286 = vector.broadcast %jit3A_285 : f32 to vector<256x128xf32>
    %select_n3A_287 = arith.select %and3A_278, %dot_general3A_43, %broadcast_in_dim3A_286 : vector<256x128xi1>, vector<256x128xf32>
    %reduce_sum3A_288 = arith.constant dense<0.000000e+00> : vector<256xf32>
    %reduce_sum3A_289 = vector.multi_reduction <add>, %select_n3A_287, %reduce_sum3A_288 [1] : vector<256x128xf32> to vector<256xf32>
    %broadcast_in_dim3A_290 = vector.shape_cast %reduce_sum3A_289 : vector<256xf32> to vector<256x1xf32>
    %eq3A_291 = arith.constant 8.000000e+00 : f32
    %eq3A_292 = vector.broadcast %eq3A_291 : f32 to vector<256x32xf32>
    %eq3A_293 = arith.cmpf oeq, %convert_element_type3A_57, %eq3A_292 : vector<256x32xf32>
    %convert_element_type3A_294 = arith.extui %eq3A_293 : vector<256x32xi1> to vector<256x32xi32>
    %convert_element_type3A_295 = arith.sitofp %convert_element_type3A_294 : vector<256x32xi32> to vector<256x32xf32>
    %mul3A_296 = vector.broadcast %broadcast_in_dim3A_284 : vector<256x1xf32> to vector<256x32xf32>
    %mul3A_297 = arith.mulf %mul3A_296, %convert_element_type3A_295 : vector<256x32xf32>
    %add3A_298 = arith.addf %add3A_271, %mul3A_297 : vector<256x32xf32>
    %mul3A_299 = vector.broadcast %broadcast_in_dim3A_290 : vector<256x1xf32> to vector<256x32xf32>
    %mul3A_300 = arith.mulf %mul3A_299, %convert_element_type3A_295 : vector<256x32xf32>
    %add3A_301 = arith.addf %add3A_274, %mul3A_300 : vector<256x32xf32>
    %eq3A_302 = arith.constant 9.000000e+00 : f32
    %eq3A_303 = vector.broadcast %eq3A_302 : f32 to vector<256x128xf32>
    %eq3A_304 = arith.cmpf oeq, %dot_general3A_54, %eq3A_303 : vector<256x128xf32>
    %and3A_305 = arith.andi %and3A, %eq3A_304 : vector<256x128xi1>
    %jit3A_306 = arith.constant 0.000000e+00 : f32
    %broadcast_in_dim3A_307 = vector.broadcast %jit3A_306 : f32 to vector<256x128xf32>
    %select_n3A_308 = arith.select %and3A_305, %convert_element_type3A_55, %broadcast_in_dim3A_307 : vector<256x128xi1>, vector<256x128xf32>
    %reduce_sum3A_309 = arith.constant dense<0.000000e+00> : vector<256xf32>
    %reduce_sum3A_310 = vector.multi_reduction <add>, %select_n3A_308, %reduce_sum3A_309 [1] : vector<256x128xf32> to vector<256xf32>
    %broadcast_in_dim3A_311 = vector.shape_cast %reduce_sum3A_310 : vector<256xf32> to vector<256x1xf32>
    %jit3A_312 = arith.constant 0.000000e+00 : f32
    %broadcast_in_dim3A_313 = vector.broadcast %jit3A_312 : f32 to vector<256x128xf32>
    %select_n3A_314 = arith.select %and3A_305, %dot_general3A_43, %broadcast_in_dim3A_313 : vector<256x128xi1>, vector<256x128xf32>
    %reduce_sum3A_315 = arith.constant dense<0.000000e+00> : vector<256xf32>
    %reduce_sum3A_316 = vector.multi_reduction <add>, %select_n3A_314, %reduce_sum3A_315 [1] : vector<256x128xf32> to vector<256xf32>
    %broadcast_in_dim3A_317 = vector.shape_cast %reduce_sum3A_316 : vector<256xf32> to vector<256x1xf32>
    %eq3A_318 = arith.constant 9.000000e+00 : f32
    %eq3A_319 = vector.broadcast %eq3A_318 : f32 to vector<256x32xf32>
    %eq3A_320 = arith.cmpf oeq, %convert_element_type3A_57, %eq3A_319 : vector<256x32xf32>
    %convert_element_type3A_321 = arith.extui %eq3A_320 : vector<256x32xi1> to vector<256x32xi32>
    %convert_element_type3A_322 = arith.sitofp %convert_element_type3A_321 : vector<256x32xi32> to vector<256x32xf32>
    %mul3A_323 = vector.broadcast %broadcast_in_dim3A_311 : vector<256x1xf32> to vector<256x32xf32>
    %mul3A_324 = arith.mulf %mul3A_323, %convert_element_type3A_322 : vector<256x32xf32>
    %add3A_325 = arith.addf %add3A_298, %mul3A_324 : vector<256x32xf32>
    %mul3A_326 = vector.broadcast %broadcast_in_dim3A_317 : vector<256x1xf32> to vector<256x32xf32>
    %mul3A_327 = arith.mulf %mul3A_326, %convert_element_type3A_322 : vector<256x32xf32>
    %add3A_328 = arith.addf %add3A_301, %mul3A_327 : vector<256x32xf32>
    %eq3A_329 = arith.constant 1.000000e+01 : f32
    %eq3A_330 = vector.broadcast %eq3A_329 : f32 to vector<256x128xf32>
    %eq3A_331 = arith.cmpf oeq, %dot_general3A_54, %eq3A_330 : vector<256x128xf32>
    %and3A_332 = arith.andi %and3A, %eq3A_331 : vector<256x128xi1>
    %jit3A_333 = arith.constant 0.000000e+00 : f32
    %broadcast_in_dim3A_334 = vector.broadcast %jit3A_333 : f32 to vector<256x128xf32>
    %select_n3A_335 = arith.select %and3A_332, %convert_element_type3A_55, %broadcast_in_dim3A_334 : vector<256x128xi1>, vector<256x128xf32>
    %reduce_sum3A_336 = arith.constant dense<0.000000e+00> : vector<256xf32>
    %reduce_sum3A_337 = vector.multi_reduction <add>, %select_n3A_335, %reduce_sum3A_336 [1] : vector<256x128xf32> to vector<256xf32>
    %broadcast_in_dim3A_338 = vector.shape_cast %reduce_sum3A_337 : vector<256xf32> to vector<256x1xf32>
    %jit3A_339 = arith.constant 0.000000e+00 : f32
    %broadcast_in_dim3A_340 = vector.broadcast %jit3A_339 : f32 to vector<256x128xf32>
    %select_n3A_341 = arith.select %and3A_332, %dot_general3A_43, %broadcast_in_dim3A_340 : vector<256x128xi1>, vector<256x128xf32>
    %reduce_sum3A_342 = arith.constant dense<0.000000e+00> : vector<256xf32>
    %reduce_sum3A_343 = vector.multi_reduction <add>, %select_n3A_341, %reduce_sum3A_342 [1] : vector<256x128xf32> to vector<256xf32>
    %broadcast_in_dim3A_344 = vector.shape_cast %reduce_sum3A_343 : vector<256xf32> to vector<256x1xf32>
    %eq3A_345 = arith.constant 1.000000e+01 : f32
    %eq3A_346 = vector.broadcast %eq3A_345 : f32 to vector<256x32xf32>
    %eq3A_347 = arith.cmpf oeq, %convert_element_type3A_57, %eq3A_346 : vector<256x32xf32>
    %convert_element_type3A_348 = arith.extui %eq3A_347 : vector<256x32xi1> to vector<256x32xi32>
    %convert_element_type3A_349 = arith.sitofp %convert_element_type3A_348 : vector<256x32xi32> to vector<256x32xf32>
    %mul3A_350 = vector.broadcast %broadcast_in_dim3A_338 : vector<256x1xf32> to vector<256x32xf32>
    %mul3A_351 = arith.mulf %mul3A_350, %convert_element_type3A_349 : vector<256x32xf32>
    %add3A_352 = arith.addf %add3A_325, %mul3A_351 : vector<256x32xf32>
    %mul3A_353 = vector.broadcast %broadcast_in_dim3A_344 : vector<256x1xf32> to vector<256x32xf32>
    %mul3A_354 = arith.mulf %mul3A_353, %convert_element_type3A_349 : vector<256x32xf32>
    %add3A_355 = arith.addf %add3A_328, %mul3A_354 : vector<256x32xf32>
    %eq3A_356 = arith.constant 1.100000e+01 : f32
    %eq3A_357 = vector.broadcast %eq3A_356 : f32 to vector<256x128xf32>
    %eq3A_358 = arith.cmpf oeq, %dot_general3A_54, %eq3A_357 : vector<256x128xf32>
    %and3A_359 = arith.andi %and3A, %eq3A_358 : vector<256x128xi1>
    %jit3A_360 = arith.constant 0.000000e+00 : f32
    %broadcast_in_dim3A_361 = vector.broadcast %jit3A_360 : f32 to vector<256x128xf32>
    %select_n3A_362 = arith.select %and3A_359, %convert_element_type3A_55, %broadcast_in_dim3A_361 : vector<256x128xi1>, vector<256x128xf32>
    %reduce_sum3A_363 = arith.constant dense<0.000000e+00> : vector<256xf32>
    %reduce_sum3A_364 = vector.multi_reduction <add>, %select_n3A_362, %reduce_sum3A_363 [1] : vector<256x128xf32> to vector<256xf32>
    %broadcast_in_dim3A_365 = vector.shape_cast %reduce_sum3A_364 : vector<256xf32> to vector<256x1xf32>
    %jit3A_366 = arith.constant 0.000000e+00 : f32
    %broadcast_in_dim3A_367 = vector.broadcast %jit3A_366 : f32 to vector<256x128xf32>
    %select_n3A_368 = arith.select %and3A_359, %dot_general3A_43, %broadcast_in_dim3A_367 : vector<256x128xi1>, vector<256x128xf32>
    %reduce_sum3A_369 = arith.constant dense<0.000000e+00> : vector<256xf32>
    %reduce_sum3A_370 = vector.multi_reduction <add>, %select_n3A_368, %reduce_sum3A_369 [1] : vector<256x128xf32> to vector<256xf32>
    %broadcast_in_dim3A_371 = vector.shape_cast %reduce_sum3A_370 : vector<256xf32> to vector<256x1xf32>
    %eq3A_372 = arith.constant 1.100000e+01 : f32
    %eq3A_373 = vector.broadcast %eq3A_372 : f32 to vector<256x32xf32>
    %eq3A_374 = arith.cmpf oeq, %convert_element_type3A_57, %eq3A_373 : vector<256x32xf32>
    %convert_element_type3A_375 = arith.extui %eq3A_374 : vector<256x32xi1> to vector<256x32xi32>
    %convert_element_type3A_376 = arith.sitofp %convert_element_type3A_375 : vector<256x32xi32> to vector<256x32xf32>
    %mul3A_377 = vector.broadcast %broadcast_in_dim3A_365 : vector<256x1xf32> to vector<256x32xf32>
    %mul3A_378 = arith.mulf %mul3A_377, %convert_element_type3A_376 : vector<256x32xf32>
    %add3A_379 = arith.addf %add3A_352, %mul3A_378 : vector<256x32xf32>
    %mul3A_380 = vector.broadcast %broadcast_in_dim3A_371 : vector<256x1xf32> to vector<256x32xf32>
    %mul3A_381 = arith.mulf %mul3A_380, %convert_element_type3A_376 : vector<256x32xf32>
    %add3A_382 = arith.addf %add3A_355, %mul3A_381 : vector<256x32xf32>
    %eq3A_383 = arith.constant 1.200000e+01 : f32
    %eq3A_384 = vector.broadcast %eq3A_383 : f32 to vector<256x128xf32>
    %eq3A_385 = arith.cmpf oeq, %dot_general3A_54, %eq3A_384 : vector<256x128xf32>
    %and3A_386 = arith.andi %and3A, %eq3A_385 : vector<256x128xi1>
    %jit3A_387 = arith.constant 0.000000e+00 : f32
    %broadcast_in_dim3A_388 = vector.broadcast %jit3A_387 : f32 to vector<256x128xf32>
    %select_n3A_389 = arith.select %and3A_386, %convert_element_type3A_55, %broadcast_in_dim3A_388 : vector<256x128xi1>, vector<256x128xf32>
    %reduce_sum3A_390 = arith.constant dense<0.000000e+00> : vector<256xf32>
    %reduce_sum3A_391 = vector.multi_reduction <add>, %select_n3A_389, %reduce_sum3A_390 [1] : vector<256x128xf32> to vector<256xf32>
    %broadcast_in_dim3A_392 = vector.shape_cast %reduce_sum3A_391 : vector<256xf32> to vector<256x1xf32>
    %jit3A_393 = arith.constant 0.000000e+00 : f32
    %broadcast_in_dim3A_394 = vector.broadcast %jit3A_393 : f32 to vector<256x128xf32>
    %select_n3A_395 = arith.select %and3A_386, %dot_general3A_43, %broadcast_in_dim3A_394 : vector<256x128xi1>, vector<256x128xf32>
    %reduce_sum3A_396 = arith.constant dense<0.000000e+00> : vector<256xf32>
    %reduce_sum3A_397 = vector.multi_reduction <add>, %select_n3A_395, %reduce_sum3A_396 [1] : vector<256x128xf32> to vector<256xf32>
    %broadcast_in_dim3A_398 = vector.shape_cast %reduce_sum3A_397 : vector<256xf32> to vector<256x1xf32>
    %eq3A_399 = arith.constant 1.200000e+01 : f32
    %eq3A_400 = vector.broadcast %eq3A_399 : f32 to vector<256x32xf32>
    %eq3A_401 = arith.cmpf oeq, %convert_element_type3A_57, %eq3A_400 : vector<256x32xf32>
    %convert_element_type3A_402 = arith.extui %eq3A_401 : vector<256x32xi1> to vector<256x32xi32>
    %convert_element_type3A_403 = arith.sitofp %convert_element_type3A_402 : vector<256x32xi32> to vector<256x32xf32>
    %mul3A_404 = vector.broadcast %broadcast_in_dim3A_392 : vector<256x1xf32> to vector<256x32xf32>
    %mul3A_405 = arith.mulf %mul3A_404, %convert_element_type3A_403 : vector<256x32xf32>
    %add3A_406 = arith.addf %add3A_379, %mul3A_405 : vector<256x32xf32>
    %mul3A_407 = vector.broadcast %broadcast_in_dim3A_398 : vector<256x1xf32> to vector<256x32xf32>
    %mul3A_408 = arith.mulf %mul3A_407, %convert_element_type3A_403 : vector<256x32xf32>
    %add3A_409 = arith.addf %add3A_382, %mul3A_408 : vector<256x32xf32>
    %eq3A_410 = arith.constant 1.300000e+01 : f32
    %eq3A_411 = vector.broadcast %eq3A_410 : f32 to vector<256x128xf32>
    %eq3A_412 = arith.cmpf oeq, %dot_general3A_54, %eq3A_411 : vector<256x128xf32>
    %and3A_413 = arith.andi %and3A, %eq3A_412 : vector<256x128xi1>
    %jit3A_414 = arith.constant 0.000000e+00 : f32
    %broadcast_in_dim3A_415 = vector.broadcast %jit3A_414 : f32 to vector<256x128xf32>
    %select_n3A_416 = arith.select %and3A_413, %convert_element_type3A_55, %broadcast_in_dim3A_415 : vector<256x128xi1>, vector<256x128xf32>
    %reduce_sum3A_417 = arith.constant dense<0.000000e+00> : vector<256xf32>
    %reduce_sum3A_418 = vector.multi_reduction <add>, %select_n3A_416, %reduce_sum3A_417 [1] : vector<256x128xf32> to vector<256xf32>
    %broadcast_in_dim3A_419 = vector.shape_cast %reduce_sum3A_418 : vector<256xf32> to vector<256x1xf32>
    %jit3A_420 = arith.constant 0.000000e+00 : f32
    %broadcast_in_dim3A_421 = vector.broadcast %jit3A_420 : f32 to vector<256x128xf32>
    %select_n3A_422 = arith.select %and3A_413, %dot_general3A_43, %broadcast_in_dim3A_421 : vector<256x128xi1>, vector<256x128xf32>
    %reduce_sum3A_423 = arith.constant dense<0.000000e+00> : vector<256xf32>
    %reduce_sum3A_424 = vector.multi_reduction <add>, %select_n3A_422, %reduce_sum3A_423 [1] : vector<256x128xf32> to vector<256xf32>
    %broadcast_in_dim3A_425 = vector.shape_cast %reduce_sum3A_424 : vector<256xf32> to vector<256x1xf32>
    %eq3A_426 = arith.constant 1.300000e+01 : f32
    %eq3A_427 = vector.broadcast %eq3A_426 : f32 to vector<256x32xf32>
    %eq3A_428 = arith.cmpf oeq, %convert_element_type3A_57, %eq3A_427 : vector<256x32xf32>
    %convert_element_type3A_429 = arith.extui %eq3A_428 : vector<256x32xi1> to vector<256x32xi32>
    %convert_element_type3A_430 = arith.sitofp %convert_element_type3A_429 : vector<256x32xi32> to vector<256x32xf32>
    %mul3A_431 = vector.broadcast %broadcast_in_dim3A_419 : vector<256x1xf32> to vector<256x32xf32>
    %mul3A_432 = arith.mulf %mul3A_431, %convert_element_type3A_430 : vector<256x32xf32>
    %add3A_433 = arith.addf %add3A_406, %mul3A_432 : vector<256x32xf32>
    %mul3A_434 = vector.broadcast %broadcast_in_dim3A_425 : vector<256x1xf32> to vector<256x32xf32>
    %mul3A_435 = arith.mulf %mul3A_434, %convert_element_type3A_430 : vector<256x32xf32>
    %add3A_436 = arith.addf %add3A_409, %mul3A_435 : vector<256x32xf32>
    %eq3A_437 = arith.constant 1.400000e+01 : f32
    %eq3A_438 = vector.broadcast %eq3A_437 : f32 to vector<256x128xf32>
    %eq3A_439 = arith.cmpf oeq, %dot_general3A_54, %eq3A_438 : vector<256x128xf32>
    %and3A_440 = arith.andi %and3A, %eq3A_439 : vector<256x128xi1>
    %jit3A_441 = arith.constant 0.000000e+00 : f32
    %broadcast_in_dim3A_442 = vector.broadcast %jit3A_441 : f32 to vector<256x128xf32>
    %select_n3A_443 = arith.select %and3A_440, %convert_element_type3A_55, %broadcast_in_dim3A_442 : vector<256x128xi1>, vector<256x128xf32>
    %reduce_sum3A_444 = arith.constant dense<0.000000e+00> : vector<256xf32>
    %reduce_sum3A_445 = vector.multi_reduction <add>, %select_n3A_443, %reduce_sum3A_444 [1] : vector<256x128xf32> to vector<256xf32>
    %broadcast_in_dim3A_446 = vector.shape_cast %reduce_sum3A_445 : vector<256xf32> to vector<256x1xf32>
    %jit3A_447 = arith.constant 0.000000e+00 : f32
    %broadcast_in_dim3A_448 = vector.broadcast %jit3A_447 : f32 to vector<256x128xf32>
    %select_n3A_449 = arith.select %and3A_440, %dot_general3A_43, %broadcast_in_dim3A_448 : vector<256x128xi1>, vector<256x128xf32>
    %reduce_sum3A_450 = arith.constant dense<0.000000e+00> : vector<256xf32>
    %reduce_sum3A_451 = vector.multi_reduction <add>, %select_n3A_449, %reduce_sum3A_450 [1] : vector<256x128xf32> to vector<256xf32>
    %broadcast_in_dim3A_452 = vector.shape_cast %reduce_sum3A_451 : vector<256xf32> to vector<256x1xf32>
    %eq3A_453 = arith.constant 1.400000e+01 : f32
    %eq3A_454 = vector.broadcast %eq3A_453 : f32 to vector<256x32xf32>
    %eq3A_455 = arith.cmpf oeq, %convert_element_type3A_57, %eq3A_454 : vector<256x32xf32>
    %convert_element_type3A_456 = arith.extui %eq3A_455 : vector<256x32xi1> to vector<256x32xi32>
    %convert_element_type3A_457 = arith.sitofp %convert_element_type3A_456 : vector<256x32xi32> to vector<256x32xf32>
    %mul3A_458 = vector.broadcast %broadcast_in_dim3A_446 : vector<256x1xf32> to vector<256x32xf32>
    %mul3A_459 = arith.mulf %mul3A_458, %convert_element_type3A_457 : vector<256x32xf32>
    %add3A_460 = arith.addf %add3A_433, %mul3A_459 : vector<256x32xf32>
    %mul3A_461 = vector.broadcast %broadcast_in_dim3A_452 : vector<256x1xf32> to vector<256x32xf32>
    %mul3A_462 = arith.mulf %mul3A_461, %convert_element_type3A_457 : vector<256x32xf32>
    %add3A_463 = arith.addf %add3A_436, %mul3A_462 : vector<256x32xf32>
    %eq3A_464 = arith.constant 1.500000e+01 : f32
    %eq3A_465 = vector.broadcast %eq3A_464 : f32 to vector<256x128xf32>
    %eq3A_466 = arith.cmpf oeq, %dot_general3A_54, %eq3A_465 : vector<256x128xf32>
    %and3A_467 = arith.andi %and3A, %eq3A_466 : vector<256x128xi1>
    %jit3A_468 = arith.constant 0.000000e+00 : f32
    %broadcast_in_dim3A_469 = vector.broadcast %jit3A_468 : f32 to vector<256x128xf32>
    %select_n3A_470 = arith.select %and3A_467, %convert_element_type3A_55, %broadcast_in_dim3A_469 : vector<256x128xi1>, vector<256x128xf32>
    %reduce_sum3A_471 = arith.constant dense<0.000000e+00> : vector<256xf32>
    %reduce_sum3A_472 = vector.multi_reduction <add>, %select_n3A_470, %reduce_sum3A_471 [1] : vector<256x128xf32> to vector<256xf32>
    %broadcast_in_dim3A_473 = vector.shape_cast %reduce_sum3A_472 : vector<256xf32> to vector<256x1xf32>
    %jit3A_474 = arith.constant 0.000000e+00 : f32
    %broadcast_in_dim3A_475 = vector.broadcast %jit3A_474 : f32 to vector<256x128xf32>
    %select_n3A_476 = arith.select %and3A_467, %dot_general3A_43, %broadcast_in_dim3A_475 : vector<256x128xi1>, vector<256x128xf32>
    %reduce_sum3A_477 = arith.constant dense<0.000000e+00> : vector<256xf32>
    %reduce_sum3A_478 = vector.multi_reduction <add>, %select_n3A_476, %reduce_sum3A_477 [1] : vector<256x128xf32> to vector<256xf32>
    %broadcast_in_dim3A_479 = vector.shape_cast %reduce_sum3A_478 : vector<256xf32> to vector<256x1xf32>
    %eq3A_480 = arith.constant 1.500000e+01 : f32
    %eq3A_481 = vector.broadcast %eq3A_480 : f32 to vector<256x32xf32>
    %eq3A_482 = arith.cmpf oeq, %convert_element_type3A_57, %eq3A_481 : vector<256x32xf32>
    %convert_element_type3A_483 = arith.extui %eq3A_482 : vector<256x32xi1> to vector<256x32xi32>
    %convert_element_type3A_484 = arith.sitofp %convert_element_type3A_483 : vector<256x32xi32> to vector<256x32xf32>
    %mul3A_485 = vector.broadcast %broadcast_in_dim3A_473 : vector<256x1xf32> to vector<256x32xf32>
    %mul3A_486 = arith.mulf %mul3A_485, %convert_element_type3A_484 : vector<256x32xf32>
    %add3A_487 = arith.addf %add3A_460, %mul3A_486 : vector<256x32xf32>
    %mul3A_488 = vector.broadcast %broadcast_in_dim3A_479 : vector<256x1xf32> to vector<256x32xf32>
    %mul3A_489 = arith.mulf %mul3A_488, %convert_element_type3A_484 : vector<256x32xf32>
    %add3A_490 = arith.addf %add3A_463, %mul3A_489 : vector<256x32xf32>
    %eq3A_491 = arith.constant 1.600000e+01 : f32
    %eq3A_492 = vector.broadcast %eq3A_491 : f32 to vector<256x128xf32>
    %eq3A_493 = arith.cmpf oeq, %dot_general3A_54, %eq3A_492 : vector<256x128xf32>
    %and3A_494 = arith.andi %and3A, %eq3A_493 : vector<256x128xi1>
    %jit3A_495 = arith.constant 0.000000e+00 : f32
    %broadcast_in_dim3A_496 = vector.broadcast %jit3A_495 : f32 to vector<256x128xf32>
    %select_n3A_497 = arith.select %and3A_494, %convert_element_type3A_55, %broadcast_in_dim3A_496 : vector<256x128xi1>, vector<256x128xf32>
    %reduce_sum3A_498 = arith.constant dense<0.000000e+00> : vector<256xf32>
    %reduce_sum3A_499 = vector.multi_reduction <add>, %select_n3A_497, %reduce_sum3A_498 [1] : vector<256x128xf32> to vector<256xf32>
    %broadcast_in_dim3A_500 = vector.shape_cast %reduce_sum3A_499 : vector<256xf32> to vector<256x1xf32>
    %jit3A_501 = arith.constant 0.000000e+00 : f32
    %broadcast_in_dim3A_502 = vector.broadcast %jit3A_501 : f32 to vector<256x128xf32>
    %select_n3A_503 = arith.select %and3A_494, %dot_general3A_43, %broadcast_in_dim3A_502 : vector<256x128xi1>, vector<256x128xf32>
    %reduce_sum3A_504 = arith.constant dense<0.000000e+00> : vector<256xf32>
    %reduce_sum3A_505 = vector.multi_reduction <add>, %select_n3A_503, %reduce_sum3A_504 [1] : vector<256x128xf32> to vector<256xf32>
    %broadcast_in_dim3A_506 = vector.shape_cast %reduce_sum3A_505 : vector<256xf32> to vector<256x1xf32>
    %eq3A_507 = arith.constant 1.600000e+01 : f32
    %eq3A_508 = vector.broadcast %eq3A_507 : f32 to vector<256x32xf32>
    %eq3A_509 = arith.cmpf oeq, %convert_element_type3A_57, %eq3A_508 : vector<256x32xf32>
    %convert_element_type3A_510 = arith.extui %eq3A_509 : vector<256x32xi1> to vector<256x32xi32>
    %convert_element_type3A_511 = arith.sitofp %convert_element_type3A_510 : vector<256x32xi32> to vector<256x32xf32>
    %mul3A_512 = vector.broadcast %broadcast_in_dim3A_500 : vector<256x1xf32> to vector<256x32xf32>
    %mul3A_513 = arith.mulf %mul3A_512, %convert_element_type3A_511 : vector<256x32xf32>
    %add3A_514 = arith.addf %add3A_487, %mul3A_513 : vector<256x32xf32>
    %mul3A_515 = vector.broadcast %broadcast_in_dim3A_506 : vector<256x1xf32> to vector<256x32xf32>
    %mul3A_516 = arith.mulf %mul3A_515, %convert_element_type3A_511 : vector<256x32xf32>
    %add3A_517 = arith.addf %add3A_490, %mul3A_516 : vector<256x32xf32>
    %eq3A_518 = arith.constant 1.700000e+01 : f32
    %eq3A_519 = vector.broadcast %eq3A_518 : f32 to vector<256x128xf32>
    %eq3A_520 = arith.cmpf oeq, %dot_general3A_54, %eq3A_519 : vector<256x128xf32>
    %and3A_521 = arith.andi %and3A, %eq3A_520 : vector<256x128xi1>
    %jit3A_522 = arith.constant 0.000000e+00 : f32
    %broadcast_in_dim3A_523 = vector.broadcast %jit3A_522 : f32 to vector<256x128xf32>
    %select_n3A_524 = arith.select %and3A_521, %convert_element_type3A_55, %broadcast_in_dim3A_523 : vector<256x128xi1>, vector<256x128xf32>
    %reduce_sum3A_525 = arith.constant dense<0.000000e+00> : vector<256xf32>
    %reduce_sum3A_526 = vector.multi_reduction <add>, %select_n3A_524, %reduce_sum3A_525 [1] : vector<256x128xf32> to vector<256xf32>
    %broadcast_in_dim3A_527 = vector.shape_cast %reduce_sum3A_526 : vector<256xf32> to vector<256x1xf32>
    %jit3A_528 = arith.constant 0.000000e+00 : f32
    %broadcast_in_dim3A_529 = vector.broadcast %jit3A_528 : f32 to vector<256x128xf32>
    %select_n3A_530 = arith.select %and3A_521, %dot_general3A_43, %broadcast_in_dim3A_529 : vector<256x128xi1>, vector<256x128xf32>
    %reduce_sum3A_531 = arith.constant dense<0.000000e+00> : vector<256xf32>
    %reduce_sum3A_532 = vector.multi_reduction <add>, %select_n3A_530, %reduce_sum3A_531 [1] : vector<256x128xf32> to vector<256xf32>
    %broadcast_in_dim3A_533 = vector.shape_cast %reduce_sum3A_532 : vector<256xf32> to vector<256x1xf32>
    %eq3A_534 = arith.constant 1.700000e+01 : f32
    %eq3A_535 = vector.broadcast %eq3A_534 : f32 to vector<256x32xf32>
    %eq3A_536 = arith.cmpf oeq, %convert_element_type3A_57, %eq3A_535 : vector<256x32xf32>
    %convert_element_type3A_537 = arith.extui %eq3A_536 : vector<256x32xi1> to vector<256x32xi32>
    %convert_element_type3A_538 = arith.sitofp %convert_element_type3A_537 : vector<256x32xi32> to vector<256x32xf32>
    %mul3A_539 = vector.broadcast %broadcast_in_dim3A_527 : vector<256x1xf32> to vector<256x32xf32>
    %mul3A_540 = arith.mulf %mul3A_539, %convert_element_type3A_538 : vector<256x32xf32>
    %add3A_541 = arith.addf %add3A_514, %mul3A_540 : vector<256x32xf32>
    %mul3A_542 = vector.broadcast %broadcast_in_dim3A_533 : vector<256x1xf32> to vector<256x32xf32>
    %mul3A_543 = arith.mulf %mul3A_542, %convert_element_type3A_538 : vector<256x32xf32>
    %add3A_544 = arith.addf %add3A_517, %mul3A_543 : vector<256x32xf32>
    %eq3A_545 = arith.constant 1.800000e+01 : f32
    %eq3A_546 = vector.broadcast %eq3A_545 : f32 to vector<256x128xf32>
    %eq3A_547 = arith.cmpf oeq, %dot_general3A_54, %eq3A_546 : vector<256x128xf32>
    %and3A_548 = arith.andi %and3A, %eq3A_547 : vector<256x128xi1>
    %jit3A_549 = arith.constant 0.000000e+00 : f32
    %broadcast_in_dim3A_550 = vector.broadcast %jit3A_549 : f32 to vector<256x128xf32>
    %select_n3A_551 = arith.select %and3A_548, %convert_element_type3A_55, %broadcast_in_dim3A_550 : vector<256x128xi1>, vector<256x128xf32>
    %reduce_sum3A_552 = arith.constant dense<0.000000e+00> : vector<256xf32>
    %reduce_sum3A_553 = vector.multi_reduction <add>, %select_n3A_551, %reduce_sum3A_552 [1] : vector<256x128xf32> to vector<256xf32>
    %broadcast_in_dim3A_554 = vector.shape_cast %reduce_sum3A_553 : vector<256xf32> to vector<256x1xf32>
    %jit3A_555 = arith.constant 0.000000e+00 : f32
    %broadcast_in_dim3A_556 = vector.broadcast %jit3A_555 : f32 to vector<256x128xf32>
    %select_n3A_557 = arith.select %and3A_548, %dot_general3A_43, %broadcast_in_dim3A_556 : vector<256x128xi1>, vector<256x128xf32>
    %reduce_sum3A_558 = arith.constant dense<0.000000e+00> : vector<256xf32>
    %reduce_sum3A_559 = vector.multi_reduction <add>, %select_n3A_557, %reduce_sum3A_558 [1] : vector<256x128xf32> to vector<256xf32>
    %broadcast_in_dim3A_560 = vector.shape_cast %reduce_sum3A_559 : vector<256xf32> to vector<256x1xf32>
    %eq3A_561 = arith.constant 1.800000e+01 : f32
    %eq3A_562 = vector.broadcast %eq3A_561 : f32 to vector<256x32xf32>
    %eq3A_563 = arith.cmpf oeq, %convert_element_type3A_57, %eq3A_562 : vector<256x32xf32>
    %convert_element_type3A_564 = arith.extui %eq3A_563 : vector<256x32xi1> to vector<256x32xi32>
    %convert_element_type3A_565 = arith.sitofp %convert_element_type3A_564 : vector<256x32xi32> to vector<256x32xf32>
    %mul3A_566 = vector.broadcast %broadcast_in_dim3A_554 : vector<256x1xf32> to vector<256x32xf32>
    %mul3A_567 = arith.mulf %mul3A_566, %convert_element_type3A_565 : vector<256x32xf32>
    %add3A_568 = arith.addf %add3A_541, %mul3A_567 : vector<256x32xf32>
    %mul3A_569 = vector.broadcast %broadcast_in_dim3A_560 : vector<256x1xf32> to vector<256x32xf32>
    %mul3A_570 = arith.mulf %mul3A_569, %convert_element_type3A_565 : vector<256x32xf32>
    %add3A_571 = arith.addf %add3A_544, %mul3A_570 : vector<256x32xf32>
    %eq3A_572 = arith.constant 1.900000e+01 : f32
    %eq3A_573 = vector.broadcast %eq3A_572 : f32 to vector<256x128xf32>
    %eq3A_574 = arith.cmpf oeq, %dot_general3A_54, %eq3A_573 : vector<256x128xf32>
    %and3A_575 = arith.andi %and3A, %eq3A_574 : vector<256x128xi1>
    %jit3A_576 = arith.constant 0.000000e+00 : f32
    %broadcast_in_dim3A_577 = vector.broadcast %jit3A_576 : f32 to vector<256x128xf32>
    %select_n3A_578 = arith.select %and3A_575, %convert_element_type3A_55, %broadcast_in_dim3A_577 : vector<256x128xi1>, vector<256x128xf32>
    %reduce_sum3A_579 = arith.constant dense<0.000000e+00> : vector<256xf32>
    %reduce_sum3A_580 = vector.multi_reduction <add>, %select_n3A_578, %reduce_sum3A_579 [1] : vector<256x128xf32> to vector<256xf32>
    %broadcast_in_dim3A_581 = vector.shape_cast %reduce_sum3A_580 : vector<256xf32> to vector<256x1xf32>
    %jit3A_582 = arith.constant 0.000000e+00 : f32
    %broadcast_in_dim3A_583 = vector.broadcast %jit3A_582 : f32 to vector<256x128xf32>
    %select_n3A_584 = arith.select %and3A_575, %dot_general3A_43, %broadcast_in_dim3A_583 : vector<256x128xi1>, vector<256x128xf32>
    %reduce_sum3A_585 = arith.constant dense<0.000000e+00> : vector<256xf32>
    %reduce_sum3A_586 = vector.multi_reduction <add>, %select_n3A_584, %reduce_sum3A_585 [1] : vector<256x128xf32> to vector<256xf32>
    %broadcast_in_dim3A_587 = vector.shape_cast %reduce_sum3A_586 : vector<256xf32> to vector<256x1xf32>
    %eq3A_588 = arith.constant 1.900000e+01 : f32
    %eq3A_589 = vector.broadcast %eq3A_588 : f32 to vector<256x32xf32>
    %eq3A_590 = arith.cmpf oeq, %convert_element_type3A_57, %eq3A_589 : vector<256x32xf32>
    %convert_element_type3A_591 = arith.extui %eq3A_590 : vector<256x32xi1> to vector<256x32xi32>
    %convert_element_type3A_592 = arith.sitofp %convert_element_type3A_591 : vector<256x32xi32> to vector<256x32xf32>
    %mul3A_593 = vector.broadcast %broadcast_in_dim3A_581 : vector<256x1xf32> to vector<256x32xf32>
    %mul3A_594 = arith.mulf %mul3A_593, %convert_element_type3A_592 : vector<256x32xf32>
    %add3A_595 = arith.addf %add3A_568, %mul3A_594 : vector<256x32xf32>
    %mul3A_596 = vector.broadcast %broadcast_in_dim3A_587 : vector<256x1xf32> to vector<256x32xf32>
    %mul3A_597 = arith.mulf %mul3A_596, %convert_element_type3A_592 : vector<256x32xf32>
    %add3A_598 = arith.addf %add3A_571, %mul3A_597 : vector<256x32xf32>
    %eq3A_599 = arith.constant 2.000000e+01 : f32
    %eq3A_600 = vector.broadcast %eq3A_599 : f32 to vector<256x128xf32>
    %eq3A_601 = arith.cmpf oeq, %dot_general3A_54, %eq3A_600 : vector<256x128xf32>
    %and3A_602 = arith.andi %and3A, %eq3A_601 : vector<256x128xi1>
    %jit3A_603 = arith.constant 0.000000e+00 : f32
    %broadcast_in_dim3A_604 = vector.broadcast %jit3A_603 : f32 to vector<256x128xf32>
    %select_n3A_605 = arith.select %and3A_602, %convert_element_type3A_55, %broadcast_in_dim3A_604 : vector<256x128xi1>, vector<256x128xf32>
    %reduce_sum3A_606 = arith.constant dense<0.000000e+00> : vector<256xf32>
    %reduce_sum3A_607 = vector.multi_reduction <add>, %select_n3A_605, %reduce_sum3A_606 [1] : vector<256x128xf32> to vector<256xf32>
    %broadcast_in_dim3A_608 = vector.shape_cast %reduce_sum3A_607 : vector<256xf32> to vector<256x1xf32>
    %jit3A_609 = arith.constant 0.000000e+00 : f32
    %broadcast_in_dim3A_610 = vector.broadcast %jit3A_609 : f32 to vector<256x128xf32>
    %select_n3A_611 = arith.select %and3A_602, %dot_general3A_43, %broadcast_in_dim3A_610 : vector<256x128xi1>, vector<256x128xf32>
    %reduce_sum3A_612 = arith.constant dense<0.000000e+00> : vector<256xf32>
    %reduce_sum3A_613 = vector.multi_reduction <add>, %select_n3A_611, %reduce_sum3A_612 [1] : vector<256x128xf32> to vector<256xf32>
    %broadcast_in_dim3A_614 = vector.shape_cast %reduce_sum3A_613 : vector<256xf32> to vector<256x1xf32>
    %eq3A_615 = arith.constant 2.000000e+01 : f32
    %eq3A_616 = vector.broadcast %eq3A_615 : f32 to vector<256x32xf32>
    %eq3A_617 = arith.cmpf oeq, %convert_element_type3A_57, %eq3A_616 : vector<256x32xf32>
    %convert_element_type3A_618 = arith.extui %eq3A_617 : vector<256x32xi1> to vector<256x32xi32>
    %convert_element_type3A_619 = arith.sitofp %convert_element_type3A_618 : vector<256x32xi32> to vector<256x32xf32>
    %mul3A_620 = vector.broadcast %broadcast_in_dim3A_608 : vector<256x1xf32> to vector<256x32xf32>
    %mul3A_621 = arith.mulf %mul3A_620, %convert_element_type3A_619 : vector<256x32xf32>
    %add3A_622 = arith.addf %add3A_595, %mul3A_621 : vector<256x32xf32>
    %mul3A_623 = vector.broadcast %broadcast_in_dim3A_614 : vector<256x1xf32> to vector<256x32xf32>
    %mul3A_624 = arith.mulf %mul3A_623, %convert_element_type3A_619 : vector<256x32xf32>
    %add3A_625 = arith.addf %add3A_598, %mul3A_624 : vector<256x32xf32>
    %eq3A_626 = arith.constant 2.100000e+01 : f32
    %eq3A_627 = vector.broadcast %eq3A_626 : f32 to vector<256x128xf32>
    %eq3A_628 = arith.cmpf oeq, %dot_general3A_54, %eq3A_627 : vector<256x128xf32>
    %and3A_629 = arith.andi %and3A, %eq3A_628 : vector<256x128xi1>
    %jit3A_630 = arith.constant 0.000000e+00 : f32
    %broadcast_in_dim3A_631 = vector.broadcast %jit3A_630 : f32 to vector<256x128xf32>
    %select_n3A_632 = arith.select %and3A_629, %convert_element_type3A_55, %broadcast_in_dim3A_631 : vector<256x128xi1>, vector<256x128xf32>
    %reduce_sum3A_633 = arith.constant dense<0.000000e+00> : vector<256xf32>
    %reduce_sum3A_634 = vector.multi_reduction <add>, %select_n3A_632, %reduce_sum3A_633 [1] : vector<256x128xf32> to vector<256xf32>
    %broadcast_in_dim3A_635 = vector.shape_cast %reduce_sum3A_634 : vector<256xf32> to vector<256x1xf32>
    %jit3A_636 = arith.constant 0.000000e+00 : f32
    %broadcast_in_dim3A_637 = vector.broadcast %jit3A_636 : f32 to vector<256x128xf32>
    %select_n3A_638 = arith.select %and3A_629, %dot_general3A_43, %broadcast_in_dim3A_637 : vector<256x128xi1>, vector<256x128xf32>
    %reduce_sum3A_639 = arith.constant dense<0.000000e+00> : vector<256xf32>
    %reduce_sum3A_640 = vector.multi_reduction <add>, %select_n3A_638, %reduce_sum3A_639 [1] : vector<256x128xf32> to vector<256xf32>
    %broadcast_in_dim3A_641 = vector.shape_cast %reduce_sum3A_640 : vector<256xf32> to vector<256x1xf32>
    %eq3A_642 = arith.constant 2.100000e+01 : f32
    %eq3A_643 = vector.broadcast %eq3A_642 : f32 to vector<256x32xf32>
    %eq3A_644 = arith.cmpf oeq, %convert_element_type3A_57, %eq3A_643 : vector<256x32xf32>
    %convert_element_type3A_645 = arith.extui %eq3A_644 : vector<256x32xi1> to vector<256x32xi32>
    %convert_element_type3A_646 = arith.sitofp %convert_element_type3A_645 : vector<256x32xi32> to vector<256x32xf32>
    %mul3A_647 = vector.broadcast %broadcast_in_dim3A_635 : vector<256x1xf32> to vector<256x32xf32>
    %mul3A_648 = arith.mulf %mul3A_647, %convert_element_type3A_646 : vector<256x32xf32>
    %add3A_649 = arith.addf %add3A_622, %mul3A_648 : vector<256x32xf32>
    %mul3A_650 = vector.broadcast %broadcast_in_dim3A_641 : vector<256x1xf32> to vector<256x32xf32>
    %mul3A_651 = arith.mulf %mul3A_650, %convert_element_type3A_646 : vector<256x32xf32>
    %add3A_652 = arith.addf %add3A_625, %mul3A_651 : vector<256x32xf32>
    %eq3A_653 = arith.constant 2.200000e+01 : f32
    %eq3A_654 = vector.broadcast %eq3A_653 : f32 to vector<256x128xf32>
    %eq3A_655 = arith.cmpf oeq, %dot_general3A_54, %eq3A_654 : vector<256x128xf32>
    %and3A_656 = arith.andi %and3A, %eq3A_655 : vector<256x128xi1>
    %jit3A_657 = arith.constant 0.000000e+00 : f32
    %broadcast_in_dim3A_658 = vector.broadcast %jit3A_657 : f32 to vector<256x128xf32>
    %select_n3A_659 = arith.select %and3A_656, %convert_element_type3A_55, %broadcast_in_dim3A_658 : vector<256x128xi1>, vector<256x128xf32>
    %reduce_sum3A_660 = arith.constant dense<0.000000e+00> : vector<256xf32>
    %reduce_sum3A_661 = vector.multi_reduction <add>, %select_n3A_659, %reduce_sum3A_660 [1] : vector<256x128xf32> to vector<256xf32>
    %broadcast_in_dim3A_662 = vector.shape_cast %reduce_sum3A_661 : vector<256xf32> to vector<256x1xf32>
    %jit3A_663 = arith.constant 0.000000e+00 : f32
    %broadcast_in_dim3A_664 = vector.broadcast %jit3A_663 : f32 to vector<256x128xf32>
    %select_n3A_665 = arith.select %and3A_656, %dot_general3A_43, %broadcast_in_dim3A_664 : vector<256x128xi1>, vector<256x128xf32>
    %reduce_sum3A_666 = arith.constant dense<0.000000e+00> : vector<256xf32>
    %reduce_sum3A_667 = vector.multi_reduction <add>, %select_n3A_665, %reduce_sum3A_666 [1] : vector<256x128xf32> to vector<256xf32>
    %broadcast_in_dim3A_668 = vector.shape_cast %reduce_sum3A_667 : vector<256xf32> to vector<256x1xf32>
    %eq3A_669 = arith.constant 2.200000e+01 : f32
    %eq3A_670 = vector.broadcast %eq3A_669 : f32 to vector<256x32xf32>
    %eq3A_671 = arith.cmpf oeq, %convert_element_type3A_57, %eq3A_670 : vector<256x32xf32>
    %convert_element_type3A_672 = arith.extui %eq3A_671 : vector<256x32xi1> to vector<256x32xi32>
    %convert_element_type3A_673 = arith.sitofp %convert_element_type3A_672 : vector<256x32xi32> to vector<256x32xf32>
    %mul3A_674 = vector.broadcast %broadcast_in_dim3A_662 : vector<256x1xf32> to vector<256x32xf32>
    %mul3A_675 = arith.mulf %mul3A_674, %convert_element_type3A_673 : vector<256x32xf32>
    %add3A_676 = arith.addf %add3A_649, %mul3A_675 : vector<256x32xf32>
    %mul3A_677 = vector.broadcast %broadcast_in_dim3A_668 : vector<256x1xf32> to vector<256x32xf32>
    %mul3A_678 = arith.mulf %mul3A_677, %convert_element_type3A_673 : vector<256x32xf32>
    %add3A_679 = arith.addf %add3A_652, %mul3A_678 : vector<256x32xf32>
    %eq3A_680 = arith.constant 2.300000e+01 : f32
    %eq3A_681 = vector.broadcast %eq3A_680 : f32 to vector<256x128xf32>
    %eq3A_682 = arith.cmpf oeq, %dot_general3A_54, %eq3A_681 : vector<256x128xf32>
    %and3A_683 = arith.andi %and3A, %eq3A_682 : vector<256x128xi1>
    %jit3A_684 = arith.constant 0.000000e+00 : f32
    %broadcast_in_dim3A_685 = vector.broadcast %jit3A_684 : f32 to vector<256x128xf32>
    %select_n3A_686 = arith.select %and3A_683, %convert_element_type3A_55, %broadcast_in_dim3A_685 : vector<256x128xi1>, vector<256x128xf32>
    %reduce_sum3A_687 = arith.constant dense<0.000000e+00> : vector<256xf32>
    %reduce_sum3A_688 = vector.multi_reduction <add>, %select_n3A_686, %reduce_sum3A_687 [1] : vector<256x128xf32> to vector<256xf32>
    %broadcast_in_dim3A_689 = vector.shape_cast %reduce_sum3A_688 : vector<256xf32> to vector<256x1xf32>
    %jit3A_690 = arith.constant 0.000000e+00 : f32
    %broadcast_in_dim3A_691 = vector.broadcast %jit3A_690 : f32 to vector<256x128xf32>
    %select_n3A_692 = arith.select %and3A_683, %dot_general3A_43, %broadcast_in_dim3A_691 : vector<256x128xi1>, vector<256x128xf32>
    %reduce_sum3A_693 = arith.constant dense<0.000000e+00> : vector<256xf32>
    %reduce_sum3A_694 = vector.multi_reduction <add>, %select_n3A_692, %reduce_sum3A_693 [1] : vector<256x128xf32> to vector<256xf32>
    %broadcast_in_dim3A_695 = vector.shape_cast %reduce_sum3A_694 : vector<256xf32> to vector<256x1xf32>
    %eq3A_696 = arith.constant 2.300000e+01 : f32
    %eq3A_697 = vector.broadcast %eq3A_696 : f32 to vector<256x32xf32>
    %eq3A_698 = arith.cmpf oeq, %convert_element_type3A_57, %eq3A_697 : vector<256x32xf32>
    %convert_element_type3A_699 = arith.extui %eq3A_698 : vector<256x32xi1> to vector<256x32xi32>
    %convert_element_type3A_700 = arith.sitofp %convert_element_type3A_699 : vector<256x32xi32> to vector<256x32xf32>
    %mul3A_701 = vector.broadcast %broadcast_in_dim3A_689 : vector<256x1xf32> to vector<256x32xf32>
    %mul3A_702 = arith.mulf %mul3A_701, %convert_element_type3A_700 : vector<256x32xf32>
    %add3A_703 = arith.addf %add3A_676, %mul3A_702 : vector<256x32xf32>
    %mul3A_704 = vector.broadcast %broadcast_in_dim3A_695 : vector<256x1xf32> to vector<256x32xf32>
    %mul3A_705 = arith.mulf %mul3A_704, %convert_element_type3A_700 : vector<256x32xf32>
    %add3A_706 = arith.addf %add3A_679, %mul3A_705 : vector<256x32xf32>
    %eq3A_707 = arith.constant 2.400000e+01 : f32
    %eq3A_708 = vector.broadcast %eq3A_707 : f32 to vector<256x128xf32>
    %eq3A_709 = arith.cmpf oeq, %dot_general3A_54, %eq3A_708 : vector<256x128xf32>
    %and3A_710 = arith.andi %and3A, %eq3A_709 : vector<256x128xi1>
    %jit3A_711 = arith.constant 0.000000e+00 : f32
    %broadcast_in_dim3A_712 = vector.broadcast %jit3A_711 : f32 to vector<256x128xf32>
    %select_n3A_713 = arith.select %and3A_710, %convert_element_type3A_55, %broadcast_in_dim3A_712 : vector<256x128xi1>, vector<256x128xf32>
    %reduce_sum3A_714 = arith.constant dense<0.000000e+00> : vector<256xf32>
    %reduce_sum3A_715 = vector.multi_reduction <add>, %select_n3A_713, %reduce_sum3A_714 [1] : vector<256x128xf32> to vector<256xf32>
    %broadcast_in_dim3A_716 = vector.shape_cast %reduce_sum3A_715 : vector<256xf32> to vector<256x1xf32>
    %jit3A_717 = arith.constant 0.000000e+00 : f32
    %broadcast_in_dim3A_718 = vector.broadcast %jit3A_717 : f32 to vector<256x128xf32>
    %select_n3A_719 = arith.select %and3A_710, %dot_general3A_43, %broadcast_in_dim3A_718 : vector<256x128xi1>, vector<256x128xf32>
    %reduce_sum3A_720 = arith.constant dense<0.000000e+00> : vector<256xf32>
    %reduce_sum3A_721 = vector.multi_reduction <add>, %select_n3A_719, %reduce_sum3A_720 [1] : vector<256x128xf32> to vector<256xf32>
    %broadcast_in_dim3A_722 = vector.shape_cast %reduce_sum3A_721 : vector<256xf32> to vector<256x1xf32>
    %eq3A_723 = arith.constant 2.400000e+01 : f32
    %eq3A_724 = vector.broadcast %eq3A_723 : f32 to vector<256x32xf32>
    %eq3A_725 = arith.cmpf oeq, %convert_element_type3A_57, %eq3A_724 : vector<256x32xf32>
    %convert_element_type3A_726 = arith.extui %eq3A_725 : vector<256x32xi1> to vector<256x32xi32>
    %convert_element_type3A_727 = arith.sitofp %convert_element_type3A_726 : vector<256x32xi32> to vector<256x32xf32>
    %mul3A_728 = vector.broadcast %broadcast_in_dim3A_716 : vector<256x1xf32> to vector<256x32xf32>
    %mul3A_729 = arith.mulf %mul3A_728, %convert_element_type3A_727 : vector<256x32xf32>
    %add3A_730 = arith.addf %add3A_703, %mul3A_729 : vector<256x32xf32>
    %mul3A_731 = vector.broadcast %broadcast_in_dim3A_722 : vector<256x1xf32> to vector<256x32xf32>
    %mul3A_732 = arith.mulf %mul3A_731, %convert_element_type3A_727 : vector<256x32xf32>
    %add3A_733 = arith.addf %add3A_706, %mul3A_732 : vector<256x32xf32>
    %eq3A_734 = arith.constant 2.500000e+01 : f32
    %eq3A_735 = vector.broadcast %eq3A_734 : f32 to vector<256x128xf32>
    %eq3A_736 = arith.cmpf oeq, %dot_general3A_54, %eq3A_735 : vector<256x128xf32>
    %and3A_737 = arith.andi %and3A, %eq3A_736 : vector<256x128xi1>
    %jit3A_738 = arith.constant 0.000000e+00 : f32
    %broadcast_in_dim3A_739 = vector.broadcast %jit3A_738 : f32 to vector<256x128xf32>
    %select_n3A_740 = arith.select %and3A_737, %convert_element_type3A_55, %broadcast_in_dim3A_739 : vector<256x128xi1>, vector<256x128xf32>
    %reduce_sum3A_741 = arith.constant dense<0.000000e+00> : vector<256xf32>
    %reduce_sum3A_742 = vector.multi_reduction <add>, %select_n3A_740, %reduce_sum3A_741 [1] : vector<256x128xf32> to vector<256xf32>
    %broadcast_in_dim3A_743 = vector.shape_cast %reduce_sum3A_742 : vector<256xf32> to vector<256x1xf32>
    %jit3A_744 = arith.constant 0.000000e+00 : f32
    %broadcast_in_dim3A_745 = vector.broadcast %jit3A_744 : f32 to vector<256x128xf32>
    %select_n3A_746 = arith.select %and3A_737, %dot_general3A_43, %broadcast_in_dim3A_745 : vector<256x128xi1>, vector<256x128xf32>
    %reduce_sum3A_747 = arith.constant dense<0.000000e+00> : vector<256xf32>
    %reduce_sum3A_748 = vector.multi_reduction <add>, %select_n3A_746, %reduce_sum3A_747 [1] : vector<256x128xf32> to vector<256xf32>
    %broadcast_in_dim3A_749 = vector.shape_cast %reduce_sum3A_748 : vector<256xf32> to vector<256x1xf32>
    %eq3A_750 = arith.constant 2.500000e+01 : f32
    %eq3A_751 = vector.broadcast %eq3A_750 : f32 to vector<256x32xf32>
    %eq3A_752 = arith.cmpf oeq, %convert_element_type3A_57, %eq3A_751 : vector<256x32xf32>
    %convert_element_type3A_753 = arith.extui %eq3A_752 : vector<256x32xi1> to vector<256x32xi32>
    %convert_element_type3A_754 = arith.sitofp %convert_element_type3A_753 : vector<256x32xi32> to vector<256x32xf32>
    %mul3A_755 = vector.broadcast %broadcast_in_dim3A_743 : vector<256x1xf32> to vector<256x32xf32>
    %mul3A_756 = arith.mulf %mul3A_755, %convert_element_type3A_754 : vector<256x32xf32>
    %add3A_757 = arith.addf %add3A_730, %mul3A_756 : vector<256x32xf32>
    %mul3A_758 = vector.broadcast %broadcast_in_dim3A_749 : vector<256x1xf32> to vector<256x32xf32>
    %mul3A_759 = arith.mulf %mul3A_758, %convert_element_type3A_754 : vector<256x32xf32>
    %add3A_760 = arith.addf %add3A_733, %mul3A_759 : vector<256x32xf32>
    %eq3A_761 = arith.constant 2.600000e+01 : f32
    %eq3A_762 = vector.broadcast %eq3A_761 : f32 to vector<256x128xf32>
    %eq3A_763 = arith.cmpf oeq, %dot_general3A_54, %eq3A_762 : vector<256x128xf32>
    %and3A_764 = arith.andi %and3A, %eq3A_763 : vector<256x128xi1>
    %jit3A_765 = arith.constant 0.000000e+00 : f32
    %broadcast_in_dim3A_766 = vector.broadcast %jit3A_765 : f32 to vector<256x128xf32>
    %select_n3A_767 = arith.select %and3A_764, %convert_element_type3A_55, %broadcast_in_dim3A_766 : vector<256x128xi1>, vector<256x128xf32>
    %reduce_sum3A_768 = arith.constant dense<0.000000e+00> : vector<256xf32>
    %reduce_sum3A_769 = vector.multi_reduction <add>, %select_n3A_767, %reduce_sum3A_768 [1] : vector<256x128xf32> to vector<256xf32>
    %broadcast_in_dim3A_770 = vector.shape_cast %reduce_sum3A_769 : vector<256xf32> to vector<256x1xf32>
    %jit3A_771 = arith.constant 0.000000e+00 : f32
    %broadcast_in_dim3A_772 = vector.broadcast %jit3A_771 : f32 to vector<256x128xf32>
    %select_n3A_773 = arith.select %and3A_764, %dot_general3A_43, %broadcast_in_dim3A_772 : vector<256x128xi1>, vector<256x128xf32>
    %reduce_sum3A_774 = arith.constant dense<0.000000e+00> : vector<256xf32>
    %reduce_sum3A_775 = vector.multi_reduction <add>, %select_n3A_773, %reduce_sum3A_774 [1] : vector<256x128xf32> to vector<256xf32>
    %broadcast_in_dim3A_776 = vector.shape_cast %reduce_sum3A_775 : vector<256xf32> to vector<256x1xf32>
    %eq3A_777 = arith.constant 2.600000e+01 : f32
    %eq3A_778 = vector.broadcast %eq3A_777 : f32 to vector<256x32xf32>
    %eq3A_779 = arith.cmpf oeq, %convert_element_type3A_57, %eq3A_778 : vector<256x32xf32>
    %convert_element_type3A_780 = arith.extui %eq3A_779 : vector<256x32xi1> to vector<256x32xi32>
    %convert_element_type3A_781 = arith.sitofp %convert_element_type3A_780 : vector<256x32xi32> to vector<256x32xf32>
    %mul3A_782 = vector.broadcast %broadcast_in_dim3A_770 : vector<256x1xf32> to vector<256x32xf32>
    %mul3A_783 = arith.mulf %mul3A_782, %convert_element_type3A_781 : vector<256x32xf32>
    %add3A_784 = arith.addf %add3A_757, %mul3A_783 : vector<256x32xf32>
    %mul3A_785 = vector.broadcast %broadcast_in_dim3A_776 : vector<256x1xf32> to vector<256x32xf32>
    %mul3A_786 = arith.mulf %mul3A_785, %convert_element_type3A_781 : vector<256x32xf32>
    %add3A_787 = arith.addf %add3A_760, %mul3A_786 : vector<256x32xf32>
    %eq3A_788 = arith.constant 2.700000e+01 : f32
    %eq3A_789 = vector.broadcast %eq3A_788 : f32 to vector<256x128xf32>
    %eq3A_790 = arith.cmpf oeq, %dot_general3A_54, %eq3A_789 : vector<256x128xf32>
    %and3A_791 = arith.andi %and3A, %eq3A_790 : vector<256x128xi1>
    %jit3A_792 = arith.constant 0.000000e+00 : f32
    %broadcast_in_dim3A_793 = vector.broadcast %jit3A_792 : f32 to vector<256x128xf32>
    %select_n3A_794 = arith.select %and3A_791, %convert_element_type3A_55, %broadcast_in_dim3A_793 : vector<256x128xi1>, vector<256x128xf32>
    %reduce_sum3A_795 = arith.constant dense<0.000000e+00> : vector<256xf32>
    %reduce_sum3A_796 = vector.multi_reduction <add>, %select_n3A_794, %reduce_sum3A_795 [1] : vector<256x128xf32> to vector<256xf32>
    %broadcast_in_dim3A_797 = vector.shape_cast %reduce_sum3A_796 : vector<256xf32> to vector<256x1xf32>
    %jit3A_798 = arith.constant 0.000000e+00 : f32
    %broadcast_in_dim3A_799 = vector.broadcast %jit3A_798 : f32 to vector<256x128xf32>
    %select_n3A_800 = arith.select %and3A_791, %dot_general3A_43, %broadcast_in_dim3A_799 : vector<256x128xi1>, vector<256x128xf32>
    %reduce_sum3A_801 = arith.constant dense<0.000000e+00> : vector<256xf32>
    %reduce_sum3A_802 = vector.multi_reduction <add>, %select_n3A_800, %reduce_sum3A_801 [1] : vector<256x128xf32> to vector<256xf32>
    %broadcast_in_dim3A_803 = vector.shape_cast %reduce_sum3A_802 : vector<256xf32> to vector<256x1xf32>
    %eq3A_804 = arith.constant 2.700000e+01 : f32
    %eq3A_805 = vector.broadcast %eq3A_804 : f32 to vector<256x32xf32>
    %eq3A_806 = arith.cmpf oeq, %convert_element_type3A_57, %eq3A_805 : vector<256x32xf32>
    %convert_element_type3A_807 = arith.extui %eq3A_806 : vector<256x32xi1> to vector<256x32xi32>
    %convert_element_type3A_808 = arith.sitofp %convert_element_type3A_807 : vector<256x32xi32> to vector<256x32xf32>
    %mul3A_809 = vector.broadcast %broadcast_in_dim3A_797 : vector<256x1xf32> to vector<256x32xf32>
    %mul3A_810 = arith.mulf %mul3A_809, %convert_element_type3A_808 : vector<256x32xf32>
    %add3A_811 = arith.addf %add3A_784, %mul3A_810 : vector<256x32xf32>
    %mul3A_812 = vector.broadcast %broadcast_in_dim3A_803 : vector<256x1xf32> to vector<256x32xf32>
    %mul3A_813 = arith.mulf %mul3A_812, %convert_element_type3A_808 : vector<256x32xf32>
    %add3A_814 = arith.addf %add3A_787, %mul3A_813 : vector<256x32xf32>
    %eq3A_815 = arith.constant 2.800000e+01 : f32
    %eq3A_816 = vector.broadcast %eq3A_815 : f32 to vector<256x128xf32>
    %eq3A_817 = arith.cmpf oeq, %dot_general3A_54, %eq3A_816 : vector<256x128xf32>
    %and3A_818 = arith.andi %and3A, %eq3A_817 : vector<256x128xi1>
    %jit3A_819 = arith.constant 0.000000e+00 : f32
    %broadcast_in_dim3A_820 = vector.broadcast %jit3A_819 : f32 to vector<256x128xf32>
    %select_n3A_821 = arith.select %and3A_818, %convert_element_type3A_55, %broadcast_in_dim3A_820 : vector<256x128xi1>, vector<256x128xf32>
    %reduce_sum3A_822 = arith.constant dense<0.000000e+00> : vector<256xf32>
    %reduce_sum3A_823 = vector.multi_reduction <add>, %select_n3A_821, %reduce_sum3A_822 [1] : vector<256x128xf32> to vector<256xf32>
    %broadcast_in_dim3A_824 = vector.shape_cast %reduce_sum3A_823 : vector<256xf32> to vector<256x1xf32>
    %jit3A_825 = arith.constant 0.000000e+00 : f32
    %broadcast_in_dim3A_826 = vector.broadcast %jit3A_825 : f32 to vector<256x128xf32>
    %select_n3A_827 = arith.select %and3A_818, %dot_general3A_43, %broadcast_in_dim3A_826 : vector<256x128xi1>, vector<256x128xf32>
    %reduce_sum3A_828 = arith.constant dense<0.000000e+00> : vector<256xf32>
    %reduce_sum3A_829 = vector.multi_reduction <add>, %select_n3A_827, %reduce_sum3A_828 [1] : vector<256x128xf32> to vector<256xf32>
    %broadcast_in_dim3A_830 = vector.shape_cast %reduce_sum3A_829 : vector<256xf32> to vector<256x1xf32>
    %eq3A_831 = arith.constant 2.800000e+01 : f32
    %eq3A_832 = vector.broadcast %eq3A_831 : f32 to vector<256x32xf32>
    %eq3A_833 = arith.cmpf oeq, %convert_element_type3A_57, %eq3A_832 : vector<256x32xf32>
    %convert_element_type3A_834 = arith.extui %eq3A_833 : vector<256x32xi1> to vector<256x32xi32>
    %convert_element_type3A_835 = arith.sitofp %convert_element_type3A_834 : vector<256x32xi32> to vector<256x32xf32>
    %mul3A_836 = vector.broadcast %broadcast_in_dim3A_824 : vector<256x1xf32> to vector<256x32xf32>
    %mul3A_837 = arith.mulf %mul3A_836, %convert_element_type3A_835 : vector<256x32xf32>
    %add3A_838 = arith.addf %add3A_811, %mul3A_837 : vector<256x32xf32>
    %mul3A_839 = vector.broadcast %broadcast_in_dim3A_830 : vector<256x1xf32> to vector<256x32xf32>
    %mul3A_840 = arith.mulf %mul3A_839, %convert_element_type3A_835 : vector<256x32xf32>
    %add3A_841 = arith.addf %add3A_814, %mul3A_840 : vector<256x32xf32>
    %eq3A_842 = arith.constant 2.900000e+01 : f32
    %eq3A_843 = vector.broadcast %eq3A_842 : f32 to vector<256x128xf32>
    %eq3A_844 = arith.cmpf oeq, %dot_general3A_54, %eq3A_843 : vector<256x128xf32>
    %and3A_845 = arith.andi %and3A, %eq3A_844 : vector<256x128xi1>
    %jit3A_846 = arith.constant 0.000000e+00 : f32
    %broadcast_in_dim3A_847 = vector.broadcast %jit3A_846 : f32 to vector<256x128xf32>
    %select_n3A_848 = arith.select %and3A_845, %convert_element_type3A_55, %broadcast_in_dim3A_847 : vector<256x128xi1>, vector<256x128xf32>
    %reduce_sum3A_849 = arith.constant dense<0.000000e+00> : vector<256xf32>
    %reduce_sum3A_850 = vector.multi_reduction <add>, %select_n3A_848, %reduce_sum3A_849 [1] : vector<256x128xf32> to vector<256xf32>
    %broadcast_in_dim3A_851 = vector.shape_cast %reduce_sum3A_850 : vector<256xf32> to vector<256x1xf32>
    %jit3A_852 = arith.constant 0.000000e+00 : f32
    %broadcast_in_dim3A_853 = vector.broadcast %jit3A_852 : f32 to vector<256x128xf32>
    %select_n3A_854 = arith.select %and3A_845, %dot_general3A_43, %broadcast_in_dim3A_853 : vector<256x128xi1>, vector<256x128xf32>
    %reduce_sum3A_855 = arith.constant dense<0.000000e+00> : vector<256xf32>
    %reduce_sum3A_856 = vector.multi_reduction <add>, %select_n3A_854, %reduce_sum3A_855 [1] : vector<256x128xf32> to vector<256xf32>
    %broadcast_in_dim3A_857 = vector.shape_cast %reduce_sum3A_856 : vector<256xf32> to vector<256x1xf32>
    %eq3A_858 = arith.constant 2.900000e+01 : f32
    %eq3A_859 = vector.broadcast %eq3A_858 : f32 to vector<256x32xf32>
    %eq3A_860 = arith.cmpf oeq, %convert_element_type3A_57, %eq3A_859 : vector<256x32xf32>
    %convert_element_type3A_861 = arith.extui %eq3A_860 : vector<256x32xi1> to vector<256x32xi32>
    %convert_element_type3A_862 = arith.sitofp %convert_element_type3A_861 : vector<256x32xi32> to vector<256x32xf32>
    %mul3A_863 = vector.broadcast %broadcast_in_dim3A_851 : vector<256x1xf32> to vector<256x32xf32>
    %mul3A_864 = arith.mulf %mul3A_863, %convert_element_type3A_862 : vector<256x32xf32>
    %add3A_865 = arith.addf %add3A_838, %mul3A_864 : vector<256x32xf32>
    %mul3A_866 = vector.broadcast %broadcast_in_dim3A_857 : vector<256x1xf32> to vector<256x32xf32>
    %mul3A_867 = arith.mulf %mul3A_866, %convert_element_type3A_862 : vector<256x32xf32>
    %add3A_868 = arith.addf %add3A_841, %mul3A_867 : vector<256x32xf32>
    %eq3A_869 = arith.constant 3.000000e+01 : f32
    %eq3A_870 = vector.broadcast %eq3A_869 : f32 to vector<256x128xf32>
    %eq3A_871 = arith.cmpf oeq, %dot_general3A_54, %eq3A_870 : vector<256x128xf32>
    %and3A_872 = arith.andi %and3A, %eq3A_871 : vector<256x128xi1>
    %jit3A_873 = arith.constant 0.000000e+00 : f32
    %broadcast_in_dim3A_874 = vector.broadcast %jit3A_873 : f32 to vector<256x128xf32>
    %select_n3A_875 = arith.select %and3A_872, %convert_element_type3A_55, %broadcast_in_dim3A_874 : vector<256x128xi1>, vector<256x128xf32>
    %reduce_sum3A_876 = arith.constant dense<0.000000e+00> : vector<256xf32>
    %reduce_sum3A_877 = vector.multi_reduction <add>, %select_n3A_875, %reduce_sum3A_876 [1] : vector<256x128xf32> to vector<256xf32>
    %broadcast_in_dim3A_878 = vector.shape_cast %reduce_sum3A_877 : vector<256xf32> to vector<256x1xf32>
    %jit3A_879 = arith.constant 0.000000e+00 : f32
    %broadcast_in_dim3A_880 = vector.broadcast %jit3A_879 : f32 to vector<256x128xf32>
    %select_n3A_881 = arith.select %and3A_872, %dot_general3A_43, %broadcast_in_dim3A_880 : vector<256x128xi1>, vector<256x128xf32>
    %reduce_sum3A_882 = arith.constant dense<0.000000e+00> : vector<256xf32>
    %reduce_sum3A_883 = vector.multi_reduction <add>, %select_n3A_881, %reduce_sum3A_882 [1] : vector<256x128xf32> to vector<256xf32>
    %broadcast_in_dim3A_884 = vector.shape_cast %reduce_sum3A_883 : vector<256xf32> to vector<256x1xf32>
    %eq3A_885 = arith.constant 3.000000e+01 : f32
    %eq3A_886 = vector.broadcast %eq3A_885 : f32 to vector<256x32xf32>
    %eq3A_887 = arith.cmpf oeq, %convert_element_type3A_57, %eq3A_886 : vector<256x32xf32>
    %convert_element_type3A_888 = arith.extui %eq3A_887 : vector<256x32xi1> to vector<256x32xi32>
    %convert_element_type3A_889 = arith.sitofp %convert_element_type3A_888 : vector<256x32xi32> to vector<256x32xf32>
    %mul3A_890 = vector.broadcast %broadcast_in_dim3A_878 : vector<256x1xf32> to vector<256x32xf32>
    %mul3A_891 = arith.mulf %mul3A_890, %convert_element_type3A_889 : vector<256x32xf32>
    %add3A_892 = arith.addf %add3A_865, %mul3A_891 : vector<256x32xf32>
    %mul3A_893 = vector.broadcast %broadcast_in_dim3A_884 : vector<256x1xf32> to vector<256x32xf32>
    %mul3A_894 = arith.mulf %mul3A_893, %convert_element_type3A_889 : vector<256x32xf32>
    %add3A_895 = arith.addf %add3A_868, %mul3A_894 : vector<256x32xf32>
    %eq3A_896 = arith.constant 3.100000e+01 : f32
    %eq3A_897 = vector.broadcast %eq3A_896 : f32 to vector<256x128xf32>
    %eq3A_898 = arith.cmpf oeq, %dot_general3A_54, %eq3A_897 : vector<256x128xf32>
    %and3A_899 = arith.andi %and3A, %eq3A_898 : vector<256x128xi1>
    %jit3A_900 = arith.constant 0.000000e+00 : f32
    %broadcast_in_dim3A_901 = vector.broadcast %jit3A_900 : f32 to vector<256x128xf32>
    %select_n3A_902 = arith.select %and3A_899, %convert_element_type3A_55, %broadcast_in_dim3A_901 : vector<256x128xi1>, vector<256x128xf32>
    %reduce_sum3A_903 = arith.constant dense<0.000000e+00> : vector<256xf32>
    %reduce_sum3A_904 = vector.multi_reduction <add>, %select_n3A_902, %reduce_sum3A_903 [1] : vector<256x128xf32> to vector<256xf32>
    %broadcast_in_dim3A_905 = vector.shape_cast %reduce_sum3A_904 : vector<256xf32> to vector<256x1xf32>
    %jit3A_906 = arith.constant 0.000000e+00 : f32
    %broadcast_in_dim3A_907 = vector.broadcast %jit3A_906 : f32 to vector<256x128xf32>
    %select_n3A_908 = arith.select %and3A_899, %dot_general3A_43, %broadcast_in_dim3A_907 : vector<256x128xi1>, vector<256x128xf32>
    %reduce_sum3A_909 = arith.constant dense<0.000000e+00> : vector<256xf32>
    %reduce_sum3A_910 = vector.multi_reduction <add>, %select_n3A_908, %reduce_sum3A_909 [1] : vector<256x128xf32> to vector<256xf32>
    %broadcast_in_dim3A_911 = vector.shape_cast %reduce_sum3A_910 : vector<256xf32> to vector<256x1xf32>
    %eq3A_912 = arith.constant 3.100000e+01 : f32
    %eq3A_913 = vector.broadcast %eq3A_912 : f32 to vector<256x32xf32>
    %eq3A_914 = arith.cmpf oeq, %convert_element_type3A_57, %eq3A_913 : vector<256x32xf32>
    %convert_element_type3A_915 = arith.extui %eq3A_914 : vector<256x32xi1> to vector<256x32xi32>
    %convert_element_type3A_916 = arith.sitofp %convert_element_type3A_915 : vector<256x32xi32> to vector<256x32xf32>
    %mul3A_917 = vector.broadcast %broadcast_in_dim3A_905 : vector<256x1xf32> to vector<256x32xf32>
    %mul3A_918 = arith.mulf %mul3A_917, %convert_element_type3A_916 : vector<256x32xf32>
    %add3A_919 = arith.addf %add3A_892, %mul3A_918 : vector<256x32xf32>
    %mul3A_920 = vector.broadcast %broadcast_in_dim3A_911 : vector<256x1xf32> to vector<256x32xf32>
    %mul3A_921 = arith.mulf %mul3A_920, %convert_element_type3A_916 : vector<256x32xf32>
    %add3A_922 = arith.addf %add3A_895, %mul3A_921 : vector<256x32xf32>
    %convert_element_type3A_923 = arith.fptosi %add3A_919 : vector<256x32xf32> to vector<256x32xi32>
    %swap3A_924 = arith.constant 0 : index
    %swap3A_925 = arith.constant 0 : index
    %swap3A_926 = vector.load %arg8[%swap3A_924, %swap3A_925] : memref<256x32xi32, #tpu.memory_space<vmem>>, vector<256x32xi32>
    tpu.vector_store %arg8[%swap3A_924, %swap3A_925], %convert_element_type3A_923 {strides = array<i32>} : memref<256x32xi32, #tpu.memory_space<vmem>>, vector<256x32xi32>,
    %convert_element_type3A_927 = arith.fptosi %add3A_922 : vector<256x32xf32> to vector<256x32xi32>
    %swap3A_928 = arith.constant 0 : index
    %swap3A_929 = arith.constant 0 : index
    %swap3A_930 = vector.load %arg9[%swap3A_928, %swap3A_929] : memref<256x32xi32, #tpu.memory_space<vmem>>, vector<256x32xi32>
    tpu.vector_store %arg9[%swap3A_928, %swap3A_929], %convert_element_type3A_927 {strides = array<i32>} : memref<256x32xi32, #tpu.memory_space<vmem>>, vector<256x32xi32>,
    return
  }
  func.func @transform_0(%arg0: i32) -> (i32, i32) {
    %c0_i32 = arith.constant 0 : i32
    %c0_i32_0 = arith.constant 0 : i32
    return %arg0, %c0_i32 : i32, i32
  }
  func.func @transform_1(%arg0: i32) -> (i32, i32) {
    %c0_i32 = arith.constant 0 : i32
    %c0_i32_0 = arith.constant 0 : i32
    %c0_i32_1 = arith.constant 0 : i32
    return %c0_i32, %c0_i32_0 : i32, i32
  }
  func.func @transform_2(%arg0: i32) -> (i32, i32) {
    %c0_i32 = arith.constant 0 : i32
    %c0_i32_0 = arith.constant 0 : i32
    return %arg0, %c0_i32 : i32, i32
  }
  func.func @transform_3(%arg0: i32) -> (i32, i32) {
    %c0_i32 = arith.constant 0 : i32
    %c0_i32_0 = arith.constant 0 : i32
    %c0_i32_1 = arith.constant 0 : i32
    return %c0_i32, %c0_i32_0 : i32, i32
  }
  func.func @transform_4(%arg0: i32) -> (i32, i32) {
    %c0_i32 = arith.constant 0 : i32
    %c0_i32_0 = arith.constant 0 : i32
    %c0_i32_1 = arith.constant 0 : i32
    return %c0_i32, %c0_i32_0 : i32, i32
  }
  func.func @transform_5(%arg0: i32) -> (i32, i32) {
    %c0_i32 = arith.constant 0 : i32
    %c0_i32_0 = arith.constant 0 : i32
    return %arg0, %c0_i32 : i32, i32
  }
  func.func @transform_6(%arg0: i32) -> (i32, i32) {
    %c0_i32 = arith.constant 0 : i32
    %c0_i32_0 = arith.constant 0 : i32
    return %arg0, %c0_i32 : i32, i32
  }
  func.func @transform_7(%arg0: i32) -> (i32, i32) {
    %c0_i32 = arith.constant 0 : i32
    %c0_i32_0 = arith.constant 0 : i32
    return %arg0, %c0_i32 : i32, i32
  }
  func.func @transform_8(%arg0: i32) -> (i32, i32) {
    %c0_i32 = arith.constant 0 : i32
    %c0_i32_0 = arith.constant 0 : i32
    return %arg0, %c0_i32 : i32, i32
  }
}

</mosaic_0001>

<sc_bundles>
// kernel: kernel.4.cloned.1.call-start
scs
__scs_entry_jumppad:
0x0: {  	(pc) =	sbr.rel $0x88, $3  }
0x1: {  	(tag) =	ssettag $0x0;
	lr =	simm.s32 $0x1  }
0x2: {  	[smem:$0x3F9F] =	sst lr;
	_ =	strace $0xD0000000  }
0x3: {  	_ = 	snop  }
0x4: {  	_ = 	snop  }
0x5: {  	_ = 	snop  }
0x6: {  	_ = 	snop  }
0x7: {  	_ = 	snop  }
__scs_overlays_trampoline_lowered:
0x8: {  	[smem:$0x3FAE] =	sst s0  }
0x9: {  	[smem:$0x3FAF] =	sst s1  }
0xa: {  	[smem:$0x3FB0] =	sst s2  }
0xb: {  	[smem:$0x3FB1] =	sst s3  }
0xc: {  	[smem:$0x3FB2] =	sst s4  }
0xd: {  	[smem:$0x3FB3] =	sst s5  }
0xe: {  	[smem:$0x3FB4] =	sst s6  }
0xf: {  	[smem:$0x3FB5] =	sst s7  }
0x10: {  	[smem:$0x3FB6] =	sst s8  }
0x11: {  	[smem:$0x3FB7] =	sst s9;
	s0 =	simm.s32 @!p0 $0x0  }
0x12: {  	s1 =	sld [smem:$0x3F9D];
	s0 =	simm.s32 @p0 $0x1  }
0x13: {  	[smem:$0x3FB8] =	sst s0;
	s0 =	simm.s32 @!p1 $0x0  }
0x14: {  	s2 =	sld [smem:$0x3F9C];
	s0 =	simm.s32 @p1 $0x1  }
0x15: {  	[smem:$0x3FB9] =	sst s0;
	s0 =	simm.s32 @!p2 $0x0  }
0x16: {  	s3 =	sld [smem:$0x3FDB];
	s0 =	simm.s32 @p2 $0x1  }
0x17: {  	s4 =	simm.s32 $0x1BF5;
	[smem:$0x3FBB] =	sst s0  }
0x18: {  	s0 =	sld [smem:$0x3F9E];
	_ =	swait.ge [sflag:s4], $0x0  }
0x19: {  	s7 =	sld [smem:$0x3F9F]  }
0x1a: {  	s8 =	sadd.s32 $0xFFFFE003, lr  }
0x1b: {  	s9 =	sadd.s32 $0xFFFFFEF7, lr;
	s5 =	simm.s32 $0xFFFFFFFF;
	p2 =	slt.u32 s8, $0xFFFFF086  }
0x1c: {  	p1 =	slt.u32 s9, $0xF7A;
	s5 =	simm.s32 @!p2 $0x0  }
0x1d: {  	s5 =	simm.s32 @p1 $0x1;
	p0 =	seq.s32 s7, s2  }
0x1e: {  	s7 =	smul.u32 @!p0 $0xF7A, s2;
	p2 =	seq.s32 @!p0 s5, $0x0  }
0x1f: {  	s9 =	smul.u32 $0xF7A, s1;
	s8 =	simm.s32 @!p0 $0x1BF5;
	p2 =	por !p2, p0  }
0x20: {  	[sflag:s8] =	ssyncset.s32 @!p0 $0xFFFFF086;
	s6 =	sadd.s32 @!p0 s3, s7;
	s7 =	simm.s32 @!p0 $0x108  }
0x21: {  	s3 =	sadd.s32 s3, s9;
	s6 =	sadd.s32 @!p0 $0x88, s6;
	s7 =	simm.s32 @p2 $0x1082  }
0x22: {  	[simem:s7], [sflag:s8] =	dma.local @!p0 [hbm:s6], $0xF7A  }
0x23: {  	s9 =	sor.u32 $0xD0000000, s2;
	s6 =	simm.s32 $0x108;
	_ =	swait.ge @!p0 [sflag:s8], $0x0  }
0x24: {  	s3 =	sadd.s32 $0x88, s3;
	s6 =	simm.s32 @!p1 $0x1082;
	[sflag:s4] =	ssyncset.s32 $0xFFFFF086  }
0x25: {  	[simem:s6], [sflag:s4] =	dma.local [hbm:s3], $0xF7A  }
0x26: {  	[smem:$0x3F9F] =	sst s1;
	(tag) =	ssettag s2;
	_ =	strace s9  }
0x27: {  	s1 =	sld [smem:$0x3FAF]  }
0x28: {  	s2 =	sld [smem:$0x3FB0]  }
0x29: {  	s4 =	sld [smem:$0x3FB2]  }
0x2a: {  	p0 =	seq.s32 s5, $0x0;
	s5 =	sld [smem:$0x3FB3]  }
0x2b: {  	s6 =	sld [smem:$0x3FB4]  }
0x2c: {  	s7 =	sld [smem:$0x3FB5]  }
0x2d: {  	s3 =	simm.s32 $0x108;
	s8 =	sld [smem:$0x3FB6]  }
0x2e: {  	s3 =	simm.s32 @!p0 $0x1082;
	s9 =	sld [smem:$0x3FB7]  }
0x2f: {  	lr =	sadd.s32 s0, s3;
	s0 =	sld [smem:$0x3FAE]  }
0x30: {  	s3 =	sld [smem:$0x3FB1]  }
0x31: {  	[smem:$0x3FBA] =	sst s10  }
0x32: {  	s10 =	sld [smem:$0x3FB8];
	_ =	sdelay $0x3  }
0x33: {  	p0 =	seq.s32 s10, $0x1;
	s10 =	sld [smem:$0x3FBA];
	_ =	sdelay $0x3  }
0x34: {  	[smem:$0x3FBA] =	sst s10  }
0x35: {  	s10 =	sld [smem:$0x3FB9];
	_ =	sdelay $0x3  }
0x36: {  	p1 =	seq.s32 s10, $0x1;
	s10 =	sld [smem:$0x3FBA];
	_ =	sdelay $0x3  }
0x37: {  	[smem:$0x3FBA] =	sst s10  }
0x38: {  	s10 =	sld [smem:$0x3FBB]  }
0x39: {  	_ = 	snop;
	(pc) =	sbr.ind lr, $3  }
0x3a: {  	_ = 	snop  }
0x3b: {  	_ = 	snop  }
0x3c: {  	p2 =	seq.s32 s10, $0x1;
	s10 =	sld [smem:$0x3FBA]  }
0x3d: {  	_ =	shalt  }
0x3e: {  	_ =	shalt  }
0x3f: {  	_ =	shalt  }
0x40: {  	_ =	shalt  }
0x41: {  	_ =	shalt  }
0x42: {  	_ =	shalt  }
0x43: {  	_ =	shalt  }
0x44: {  	_ =	shalt  }
0x45: {  	_ =	shalt  }
0x46: {  	_ =	shalt  }
0x47: {  	_ =	shalt  }
0x48: {  	_ =	shalt  }
0x49: {  	_ =	shalt  }
0x4a: {  	_ =	shalt  }
0x4b: {  	_ =	shalt  }
0x4c: {  	_ =	shalt  }
0x4d: {  	_ =	shalt  }
0x4e: {  	_ =	shalt  }
0x4f: {  	_ =	shalt  }
0x50: {  	_ =	shalt  }
0x51: {  	_ =	shalt  }
0x52: {  	_ =	shalt  }
0x53: {  	_ =	shalt  }
0x54: {  	_ =	shalt  }
0x55: {  	_ =	shalt  }
0x56: {  	_ =	shalt  }
0x57: {  	_ =	shalt  }
0x58: {  	_ =	shalt  }
0x59: {  	_ =	shalt  }
0x5a: {  	_ =	shalt  }
0x5b: {  	_ =	shalt  }
0x5c: {  	_ =	shalt  }
0x5d: {  	_ =	shalt  }
0x5e: {  	_ =	shalt  }
0x5f: {  	_ =	shalt  }
0x60: {  	_ =	shalt  }
0x61: {  	_ =	shalt  }
0x62: {  	_ =	shalt  }
0x63: {  	_ =	shalt  }
0x64: {  	_ =	shalt  }
0x65: {  	_ =	shalt  }
0x66: {  	_ =	shalt  }
0x67: {  	_ =	shalt  }
0x68: {  	_ =	shalt  }
0x69: {  	_ =	shalt  }
0x6a: {  	_ =	shalt  }
0x6b: {  	_ =	shalt  }
0x6c: {  	_ =	shalt  }
0x6d: {  	_ =	shalt  }
0x6e: {  	_ =	shalt  }
0x6f: {  	_ =	shalt  }
0x70: {  	_ =	shalt  }
0x71: {  	_ =	shalt  }
0x72: {  	_ =	shalt  }
0x73: {  	_ =	shalt  }
0x74: {  	_ =	shalt  }
0x75: {  	_ =	shalt  }
0x76: {  	_ =	shalt  }
0x77: {  	_ =	shalt  }
0x78: {  	_ =	shalt  }
0x79: {  	_ =	shalt  }
0x7a: {  	_ =	shalt  }
0x7b: {  	_ =	shalt  }
0x7c: {  	_ =	shalt  }
0x7d: {  	_ =	shalt  }
0x7e: {  	_ =	shalt  }
0x7f: {  	_ =	shalt  }
0x80: {  	_ =	shalt  }
0x81: {  	_ =	shalt  }
0x82: {  	_ =	shalt  }
0x83: {  	_ =	shalt  }
0x84: {  	_ =	shalt  }
0x85: {  	_ =	shalt  }
0x86: {  	_ =	shalt  }
0x87: {  	_ =	shalt  }
.Lfunc_end0:
.L_simem_size_0:
called_computation.3_lowered:
.L_overlay_start_0:
0x88: {  	s2 =	sld [smem:$0x3FD9]  }
0x89: {  	s3 =	sld [smem:$0x3FFE];
	_ =	sdelay $0x1  }
0x8a: {  	s1 =	srdreg.scid  }
0x8b: {  	s0 =	sand.u32 $0x1, s1  }
0x8c: {  	s14 =	sshll.u32 s0, $0xA;
	s2 =	sadd.s32 s3, s2  }
0x8d: {  	s2 =	sadd.s32 s2, s14  }
0x8e: {  	[smem:$0x3FC6] =	sst s2  }
0x8f: {  	_ = 	snop  }
0x90: {  	s2 =	sld [smem:$0x3FD0];
	_ =	sdelay $0x2  }
0x91: {  	s15 =	simm.s32 $0xA;
	s4 =	simm.s32 $0x10  }
0x92: {  	[smem:s4], [sflag:s15] =	dma.local [hbm:s2], $0x1  }
0x93: {  	_ =	swait.eq [sflag:s15], $0x1  }
0x94: {  	[sflag:s15] =	ssyncset.done $0x0  }
0x95: {  	s16 =	sld [smem:$0x10];
	[sflag:s15] =	ssyncadd.s32 $0xFFFFFFFF  }
0x96: {  	s17 =	sld [smem:$0x12];
	(tm) =	ssettm $0x1  }
0x97: {  	s18 =	sld [smem:$0x3FFB];
	_ =	sdelay $0x3  }
0x98: {  	_ =	strace s18  }
0x99: {  	s4 =	sld [smem:$0x3FFC];
	_ =	sdelay $0x3  }
0x9a: {  	_ =	strace s4  }
0x9b: {  	s4 =	sld [smem:$0x3FFD];
	_ =	sdelay $0x3  }
0x9c: {  	_ =	strace s4  }
0x9d: {  	_ =	strace $0x8FFFFFFF  }
0x9e: {  	s19 =	sld [smem:$0x3FDB];
	_ =	sdelay $0x1  }
0x9f: {  	s5 =	simm.s32 $_scs_section_size  }
0xa0: {  	s6 =	simm.s32 $_size__tile_overlayer_lowered;
	s7 =	simm.s32 $_tile_overlayer_lowered  }
0xa1: {  	s22 =	simm.s32 $0x1BFF;
	s21 =	sshll.u32 s7, $0x1;
	s4 =	sadd.s32 s5, s19  }
0xa2: {  	s8 =	simm.s32 $0x0;
	s20 =	sshll.u32 s6, $0x1;
	s6 =	sadd.s32 s21, s4  }
0xa3: {  	[timem:s8], [sflag:s22] =	dma.local [hbm:s6], s20  }
0xa4: {  	_ =	swait.ge [sflag:s22], s20  }
0xa5: {  	s5 =	ssub.s32 $0x0, s20;
	[sflag:s22] =	ssyncset.done $0x0  }
0xa6: {  	[sflag:s22] =	ssyncadd.s32 s5;
	_ =	sdelay $0x1  }
0xa7: {  	s23 =	simm.s32 $0x1B8B  }
0xa8: {  	_ =	swait.ge [sflag:s23], $0x1  }
0xa9: {  	[sflag:s23] =	ssyncset.done $0x0  }
0xaa: {  	s25 =	simm.s32 $0x1B8E;
	s24 =	sld [smem:$0x3FFE];
	[sflag:s23] =	ssyncadd.s32 $0xFFFFFFFF  }
0xab: {  	s26 =	simm.s32 $execute0_lowered;
	[smem:$0x3FD2] =	sst s25  }
0xac: {  	s6 =	sshll.u32 s26, $0x1;
	_ =	strace $0x8000004F;
	[dreg:$0x1] =	wrdreg $0xFFFFFFFF  }
0xad: {  	s28 =	simm.s32 $_size_execute0_lowered;
	s4 =	sadd.s32 s4, s6;
	[dreg:$0x0] =	wrdreg $0x0  }
0xae: {  	s6 =	sshll.u32 s28, $0x1;
	[dreg:$0x2] =	wrdreg s4  }
0xaf: {  	[dreg:$0x3] =	wrdreg s6  }
0xb0: {  	[dreg:$0x4] =	wrdreg $0xC0  }
0xb1: {  	_ =	task [dreg:s8], $0x5FFFF  }
0xb2: {  	[dreg:$0x1] =	wrdreg $0xFFFFFFFF  }
0xb3: {  	[dreg:$0x0] =	wrdreg $0x60  }
0xb4: {  	[dreg:$0x2] =	wrdreg s24  }
0xb5: {  	[dreg:$0x3] =	wrdreg s16  }
0xb6: {  	[dreg:$0x4] =	wrdreg s17  }
0xb7: {  	[dreg:$0x5] =	wrdreg $0x9  }
0xb8: {  	_ =	task.clear_ibuf [dreg:s8], $0x6FFFF;
	_ =	strace $0x9000004F  }
0xb9: {  	s29 =	simm.s32 $0x9;
	_ =	strace $0x80000051  }
0xba: {  	_ =	swait.ge [sflag:s29], $0x1  }
0xbb: {  	[sflag:s29] =	ssyncadd.s32 $0xFFFFFFFF  }
0xbc: {  	_ =	strace $0x90000051  }
0xbd: {  	_ =	sfence  }
0xbe: {  	s30 =	sld [smem:$0x0];
	_ =	sdelay $0x2  }
0xbf: {  	s31 =	sshll.u32 s1, $0xD;
	s1 =	sshrl.u32 s1, $0x2  }
0xc0: {  	s3 =	sand.u32 $0x4000, s31;
	s1 =	sadd.s32 s1, s30  }
0xc1: {  	s0 =	sor.u32 s3, s0;
	s1 =	sshll.u32 s1, $0x11  }
0xc2: {  	s0 =	sor.u32 s1, s0  }
0xc3: {  	s0 =	sadd.s32 $0x8F2B, s0  }
0xc4: {  	[sflag:s0] =	ssyncadd.remote.s32 $0x1  }
0xc5: {  	_ =	sfence.sel $0xFFFF  }
0xc6: {  	[dreg:$0x0] =	wrdreg $0xFFFFFFFF;
	(pc) =	sbr.abs _section_cstart, $3  }
0xc7: {  	[dreg:$0x1] =	wrdreg $0xFFFFFFFF  }
0xc8: {  	_ =	task.clear_ibuf [dreg:s8], $0x2FFFF;
	_ =	strace $0x9FFFFFFF  }
0xc9: {  	(tm) =	ssettm $0x7FFFFFFF  }
tec
execute0_lowered:
.L_overlay_start_1:
0x0: {  	(tag) =	ssettag $0x1  }
0x1: {  	s11 =	rddreg [dreg:$0x0]  }
0x2: {  	s1 =	rddreg [dreg:$0x1]  }
0x3: {  	s2 =	rddreg [dreg:$0x2];
	s3 =	simm.s32 $0x0  }
0x4: {  	s7 =	srdreg.scid;
	s16 =	simm.s32 $0x4000;
	s17 =	simm.s32 $0x6000  }
0x5: {  	s18 =	simm.s32 $0xE000;
	s19 =	simm.s32 $0xE200;
	s20 =	simm.s32 $0xE400  }
0x6: {  	s21 =	simm.s32 $0xE480;
	s22 =	simm.s32 $0xE700;
	s23 =	simm.s32 $0xE500  }
0x7: {  	s24 =	simm.s32 $0x0;
	[smem:$0x7FF] =	sst s3;
	s5 =	sadd.s32 $0x102800, s11  }
0x8: {  	v0 =	vlaneseq.u32;
	s4 =	sadd.s32 $0x1800, s11;
	s6 =	sadd.s32 $0x101800, s11;
	s8 =	sadd.s32 $0x107000, s11  }
0x9: {  	s9 =	sadd.s32 $0x106C00, s11;
	s12 =	sand.u32 $0x1, s7;
	s10 =	sadd.s32 $0x106800, s11;
	v1 =	vmul.u32 $0x4, v0  }
0xa: {  	v2 =	vimm.s32 $0x0;
	s7 =	stileid.u32;
	s11 =	sadd.s32 $0x107400, s11;
	v3 =	vmul.u32 $0x3, v0;
	s13 =	ssub.s32 $0x2, s12  }
0xb: {  	v9 =	vor.u32 $0x10, v0;
	s15 =	sshll.u32 s7, $0x8;
	s12 =	sshll.u32 s12, $0x7;
	s14 =	sshrl.u32 s13, $0x1;
	v4 =	vor.u32 $0x1, v1;
	v5 =	vor.u32 $0x2, v1  }
0xc: {  	_ =	strace $0x80000050;
	s12 =	sor.u32 s12, s15;
	v6 =	vor.u32 $0x3, v1;
	v7 =	vadd.s32 $0x1, v3;
	v8 =	vadd.s32 $0x2, v3;
	s13 =	ssub.s32 s13, s14  }
0xd: {  	s15 =	simm.s32 $0x2000;
	v10 =	vadd.s32 $0x30, v3;
	v11 =	vadd.s32 $0x31, v3;
	v12 =	vadd.s32 $0x32, v3;
	s14 =	simm.s32 $0x1;
	s13 =	smax.u32 s13, $0x1  }
.LBB2_1:
0xe: {  	[tilespmem:s3], [sflag:$0x1] =	stream.linear.gather [hbm4b:s8+s3], $0x2000, $0x38;
	[tilespmem:$0xED00] =	vst v63  }
0xf: {  	_ =	swait.ge [sflag:s14], $0x2000  }
0x10: {  	[sflag:s14] =	ssyncset.done $0x0  }
0x11: {  	[sflag:s14] =	ssyncadd.s32 $0xFFFFE000  }
0x12: {  	[tilespmem:s15], [sflag:$0x1] =	stream.linear.gather [hbm4b:s9+s3], $0x2000, $0x38;
	[tilespmem:$0xED00] =	vst v63  }
0x13: {  	_ =	swait.ge [sflag:s14], $0x2000  }
0x14: {  	[sflag:s14] =	ssyncset.done $0x0  }
0x15: {  	[sflag:s14] =	ssyncadd.s32 $0xFFFFE000  }
0x16: {  	[tilespmem:s16], [sflag:$0x1] =	stream.linear.gather [hbm4b:s10+s3], $0x2000, $0x38;
	[tilespmem:$0xED00] =	vst v63  }
0x17: {  	_ =	swait.ge [sflag:s14], $0x2000  }
0x18: {  	[sflag:s14] =	ssyncset.done $0x0  }
0x19: {  	s25 =	simm.s32 $0x0;
	[sflag:s14] =	ssyncadd.s32 $0xFFFFE000  }
.LBB2_2:
0x1a: {  	s26 =	sshll.u32 s25, $0x4  }
0x1b: {  	s26 =	sadd.s32 s12, s26  }
0x1c: {  	s28 =	sshll.u32 s26, $0x8  }
0x1d: {  	s29 =	sadd.s32 s4, s28;
	s28 =	simm.s32 $0x0  }
0x1e: {  	[tilespmem:s17], [sflag:$0x1] =	stream.linear.gather [hbm4b:s29+s28], $0x8000, $0x38;
	[tilespmem:$0xED00] =	vst v63  }
0x1f: {  	_ =	swait.ge [sflag:s14], $0x8000  }
0x20: {  	s29 =	sshll.u32 s26, $0x2;
	[sflag:s14] =	ssyncset.done $0x0  }
0x21: {  	s30 =	sadd.s32 s1, s29;
	[sflag:s14] =	ssyncadd.s32 $0xFFFF8000  }
0x22: {  	[tilespmem:s18], [sflag:$0x1] =	stream.linear.gather [hbm4b:s30+s28], $0x200, $0x38;
	[tilespmem:$0xED00] =	vst v63  }
0x23: {  	_ =	swait.ge [sflag:s14], $0x200  }
0x24: {  	[sflag:s14] =	ssyncset.done $0x0  }
0x25: {  	s30 =	sadd.s32 s5, s29;
	[sflag:s14] =	ssyncadd.s32 $0xFFFFFE00  }
0x26: {  	[tilespmem:s19], [sflag:$0x1] =	stream.linear.gather [hbm4b:s30+s28], $0x200, $0x38;
	[tilespmem:$0xED00] =	vst v63  }
0x27: {  	_ =	swait.ge [sflag:s14], $0x200  }
0x28: {  	[sflag:s14] =	ssyncset.done $0x0  }
0x29: {  	s30 =	sadd.s32 s6, s26;
	[sflag:s14] =	ssyncadd.s32 $0xFFFFFE00  }
0x2a: {  	[tilespmem:s20], [sflag:$0x1] =	stream.linear.gather [hbm4b:s30+s28], $0x80, $0x38;
	[tilespmem:$0xED00] =	vst v63  }
0x2b: {  	_ =	swait.ge [sflag:s14], $0x80  }
0x2c: {  	[sflag:s14] =	ssyncset.done $0x0  }
0x2d: {  	s30 =	simm.s32 $0x0;
	[sflag:s14] =	ssyncadd.s32 $0xFFFFFF80  }
.LBB2_3:
0x2e: {  	[tilespmem:$0xE480] =	vst v2;
	s31 =	sshll.u32 s30, $0xB  }
0x2f: {  	[tilespmem:$0xE490] =	vst v2;
	v13 =	vmov s31;
	s31 =	simm.s32 $0x0  }
.LBB2_4:
0x30: {  	s0 =	sadd.s32 s31, s28  }
0x31: {  	v14 =	vmov s0;
	_ =	sdelay $0x4  }
0x32: {  	v15 =	vld.idx.msk [tilespmem:v14+s18+$0x0], $0xffff;
	_ =	sdelay $0x4  }
0x33: {  	v16 =	vshll.u32 v15, $0x4  }
0x34: {  	v17 =	vadd.s32 v13, v16;
	v16 =	vor.u32 v0, v16  }
0x35: {  	v17 =	vand.u32 $0xFFFFFF80, v17;
	v16 =	vand.u32 $0x7F, v16  }
0x36: {  	v16 =	vor.u32 v16, v17;
	_ =	sdelay $0x4  }
0x37: {  	v16 =	vld.idx.msk [tilespmem:v16+s17+$0x0], $0xffff;
	_ =	sdelay $0x4  }
0x38: {  	v59 =	vmul.u32 $0x1010101, v16;
	_ =	sdelay $0x1  }
0x39: {  	v17 =	vshra.s32 v59, $0x18  }
0x3a: {  	(xrf0) =	vadd.scan.msk.s32 $0xffff, v17;
	_ =	sdelay $0x2  }
0x3b: {  	v14 =	vld.idx.msk [tilespmem:v14+s19+$0x0], $0xffff;
	_ =	sdelay $0x1  }
0x3c: {  	v60 =	vand.u32 $0x1, v16;
	v61 =	vshrl.u32 v16, $0x8  }
0x3d: {  	v20 =	vshrl.u32 v16, $0x10;
	v16 =	vand.u32 $0x1000000, v16;
	vm0 =	veq.s32 v60, $0x1;
	v18, _, _ =	vpop (xrf0)  }
0x3e: {  	v62 =	vand.u32 $0x1, v20;
	v17 =	vsub.s32 v18, v17;
	v18 =	vand.u32 $0x1, v61  }
0x3f: {  	vm14 =	veq.s32 v62, $0x1;
	v14 =	vadd.s32 v14, v17;
	vm13 =	veq.s32 v18, $0x1  }
0x40: {  	v17 =	vadd.s32 v60, v18;
	vm1 =	vlt.s32 v14, $0x20;
	v19 =	vadd.s32 v60, v14  }
0x41: {  	v17 =	vadd.s32 v17, v14;
	vm0 =	vmand vm1, vm0;
	vm2 =	vlt.s32 v19, $0x20  }
0x42: {  	vm3 =	vlt.s32 v17, $0x20;
	v18 =	vadd.s32 v62, v17;
	vm1 =	vmand vm2, vm13  }
0x43: {  	vm15 =	vne.s32 v16, $0x0;
	vm2 =	vmand vm3, vm14;
	vm4 =	vlt.s32 v18, $0x20  }
0x44: {  	vm3 =	vmand vm15, vm4  }
0x45: {  	p0 =	sne.s32 s31, $0x1F;
	v15 =	vshll.u32 v15, $0x6  }
.Ltmp0:
0x46: {  	v63 =	vor.u32 v1, v15;
	(pc) =	sbr.rel @p0 .LBB2_4-.Ltmp0, $4  }
0x47: {  	[tilespmem:v14+s21+$0x0] =	vst.idx.msk vm0, v63;
	v14 =	vor.u32 v4, v15  }
0x48: {  	[tilespmem:v19+s21+$0x0] =	vst.idx.msk vm1, v14;
	v14 =	vor.u32 v5, v15  }
0x49: {  	[tilespmem:v17+s21+$0x0] =	vst.idx.msk vm2, v14;
	v14 =	vor.u32 v6, v15  }
0x4a: {  	s31 =	sadd.s32 $0x1, s31;
	[tilespmem:v18+s21+$0x0] =	vst.idx.msk vm3, v14  }
0x4b: {  	s0 =	sshll.u32 s30, $0x3  }
0x4c: {  	v13 =	vmov s0  }
0x4d: {  	v14 =	vld [tilespmem:$0xE480];
	v13 =	vbroadcast v13, $0x0;
	_ =	sdelay $0x1  }
0x4e: {  	v15 =	vld [tilespmem:$0xE490];
	_ =	sdelay $0x1  }
0x4f: {  	s31 =	sshll.u32 s30, $0x5  }
0x50: {  	s0 =	sand.u32 $0x3FFFFFE0, s31  }
0x51: {  	v13 =	vld.idx.msk [tilespmem:v13+s20+$0x0], $0xffff;
	[tilespmem:s0+$0xE500] =	vst v14  }
0x52: {  	s31 =	smul.u32 $0x60, s30;
	[tilespmem:s0+$0xE510] =	vst v15  }
0x53: {  	v16 =	vld.idx.msk [tilespmem:v14+s3+$0x0], $0xffff  }
0x54: {  	v18 =	vadd.s32 s31, v3;
	v17 =	vld.idx.msk [tilespmem:v14+s15+$0x0], $0xffff  }
0x55: {  	v19 =	vadd.s32 s31, v7;
	v14 =	vld.idx.msk [tilespmem:v14+s16+$0x0], $0xffff  }
0x56: {  	v20 =	vadd.s32 s31, v8  }
0x57: {  	vm0 =	vgt.s32 v13, v0  }
0x58: {  	v16 =	vnsel vm0, $0x0, v16  }
0x59: {  	v60 =	vnsel vm0, $0x0, v17;
	[tilespmem:v18+s22+$0x0] =	vst.idx.msk $0xffff, v16  }
0x5a: {  	v14 =	vnsel vm0, $0x0, v14;
	[tilespmem:v19+s22+$0x0] =	vst.idx.msk $0xffff, v60  }
0x5b: {  	[tilespmem:v20+s22+$0x0] =	vst.idx.msk $0xffff, v14  }
0x5c: {  	v14 =	vld.idx.msk [tilespmem:v15+s3+$0x0], $0xffff  }
0x5d: {  	v61 =	vadd.s32 s31, v10;
	v16 =	vld.idx.msk [tilespmem:v15+s15+$0x0], $0xffff  }
0x5e: {  	s30 =	sadd.s32 $0x1, s30;
	v62 =	vadd.s32 s31, v11;
	v15 =	vld.idx.msk [tilespmem:v15+s16+$0x0], $0xffff  }
0x5f: {  	p0 =	sne.s32 s30, $0x10;
	v63 =	vadd.s32 s31, v12  }
.Ltmp1:
0x60: {  	vm15 =	vgt.s32 v13, v9;
	(pc) =	sbr.rel @p0 .LBB2_3-.Ltmp1, $4  }
0x61: {  	v13 =	vnsel vm15, $0x0, v14  }
0x62: {  	[tilespmem:v61+s22+$0x0] =	vst.idx.msk $0xffff, v13;
	v13 =	vnsel vm15, $0x0, v16  }
0x63: {  	v14 =	vnsel vm15, $0x0, v15;
	[tilespmem:v62+s22+$0x0] =	vst.idx.msk $0xffff, v13  }
0x64: {  	s28 =	sadd.s32 $0x20, s28;
	[tilespmem:v63+s22+$0x0] =	vst.idx.msk $0xffff, v14  }
0x65: {  	s0 =	sadd.s32 s11, s29  }
0x66: {  	[hbm4b:s0+s3] =	stream.linear.scatter [tilespmem:s23], [sflag:$0x1], $0x200, $0x38;
	[tilespmem:$0xED00] =	vst v63  }
0x67: {  	s31 =	smul.u32 $0xC, s26;
	s25 =	sadd.s32 $0x1, s25;
	_ =	swait.ge [sflag:s14], $0x200  }
0x68: {  	p0 =	sne.s32 s25, $0x8;
	[sflag:s14] =	ssyncset.done $0x0  }
.Ltmp2:
0x69: {  	s0 =	sadd.s32 s2, s31;
	[sflag:s14] =	ssyncadd.s32 $0xFFFFFE00;
	(pc) =	sbr.rel @p0 .LBB2_2-.Ltmp2, $4  }
0x6a: {  	[hbm4b:s0+s3] =	stream.linear.scatter [tilespmem:s22], [sflag:$0x1], $0x600, $0x38;
	[tilespmem:$0xED00] =	vst v63  }
0x6b: {  	_ =	swait.ge [sflag:s14], $0x600  }
0x6c: {  	[sflag:s14] =	ssyncset.done $0x0  }
0x6d: {  	[sflag:s14] =	ssyncadd.s32 $0xFFFFFA00  }
0x6e: {  	s24 =	sadd.s32 $0x1, s24  }
0x6f: {  	p0 =	sne.s32 s24, s13  }
.Ltmp3:
0x70: {  	_ = 	snop;
	(pc) =	sbr.rel @p0 .LBB2_1-.Ltmp3, $1  }
0x71: {  	_ =	sdelay $0x3  }
0x72: {  	_ =	sfence.sel $0x180000  }
0x73: {  	[bflag:$0x0] =	sbarrier.arrive $0xFFFF  }
0x74: {  	_ =	strace $0x90000050  }
0x75: {  	[bflag:$0x2] =	sbarrier.arrive $0xFFFF  }
0x76: {  	p0 =	sne.s32 s7, $0x0;
	s0 =	rddreg [dreg:$0x3]  }
0x77: {  	s0 =	sadd.s32 @!p0 $0x100000, s0  }
0x78: {  	[sflag:s0] =	ssyncadd.tile.s32 @!p0 $0x1;
	_ =	shalt  }
.Lfunc_end2:
_tile_overlayer_lowered:
.L_overlay_start_2:
0x79: {  	(tag) =	ssettag $0x2  }
0x7a: {  	s0 =	rddreg [dreg:$0x0];
	s2 =	stileid.u32  }
0x7b: {  	s1 =	rddreg [dreg:$0x1];
	p0 =	sne.s32 s2, $0x0  }
0x7c: {  	s3 =	rddreg [dreg:$0x2];
	[bflag:$0x3] =	sbarrier.arrive $0xFFFF;
	s2 =	simm.s32 @!p0 $0x1C01  }
0x7d: {  	[timem:s3], [sflag:s2] =	dma.local @!p0 [hbm:s0], s1  }
0x7e: {  	s0 =	simm.s32 @!p0 $0x1  }
0x7f: {  	_ =	swait.ge @!p0 [sflag:s0], s1  }
0x80: {  	s1 =	ssub.s32 @!p0 $0x0, s1;
	[sflag:s0] =	ssyncset.done @!p0 $0x0  }
0x81: {  	[sflag:s0] =	ssyncadd.s32 @!p0 s1  }
0x82: {  	[bflag:$0x3] =	sbarrier.arrive $0xFFFF  }
0x83: {  	_ =	shalt  }

// kernel: sparse-core-data-format-call.1.cloned.1.call-start
scs
called_computation.1_lowered:
.L_overlay_start_0:
0x0: {  	s1 =	sld [smem:$0x3FD9]  }
0x1: {  	s2 =	sld [smem:$0x3FFE];
	_ =	sdelay $0x1  }
0x2: {  	s3 =	srdreg.scid  }
0x3: {  	s0 =	sand.u32 $0x1, s3  }
0x4: {  	s17 =	sshll.u32 s0, $0xA;
	s1 =	sadd.s32 s2, s1  }
0x5: {  	s1 =	sadd.s32 s1, s17  }
0x6: {  	[smem:$0x3FC6] =	sst s1  }
0x7: {  	_ = 	snop  }
0x8: {  	(tm) =	ssettm $0x1  }
0x9: {  	s18 =	sld [smem:$0x3FFB];
	_ =	sdelay $0x3  }
0xa: {  	_ =	strace s18  }
0xb: {  	s1 =	sld [smem:$0x3FFC];
	_ =	sdelay $0x3  }
0xc: {  	_ =	strace s1  }
0xd: {  	s1 =	sld [smem:$0x3FFD];
	_ =	sdelay $0x3  }
0xe: {  	_ =	strace s1  }
0xf: {  	_ =	strace $0x8FFFFFFF  }
0x10: {  	s19 =	sld [smem:$0x3FDB];
	_ =	sdelay $0x1  }
0x11: {  	s20 =	simm.s32 $_scs_section_size  }
0x12: {  	s4 =	simm.s32 $_size__tile_overlayer_lowered;
	s5 =	simm.s32 $_tile_overlayer_lowered  }
0x13: {  	s23 =	simm.s32 $0x1BFF;
	s22 =	sshll.u32 s5, $0x1;
	s1 =	sadd.s32 s20, s19  }
0x14: {  	s6 =	simm.s32 $0x0;
	s21 =	sshll.u32 s4, $0x1;
	s4 =	sadd.s32 s22, s1  }
0x15: {  	[timem:s6], [sflag:s23] =	dma.local [hbm:s4], s21  }
0x16: {  	_ =	swait.ge [sflag:s23], s21  }
0x17: {  	s2 =	ssub.s32 $0x0, s21;
	[sflag:s23] =	ssyncset.done $0x0  }
0x18: {  	[sflag:s23] =	ssyncadd.s32 s2;
	_ =	sdelay $0x1  }
0x19: {  	s24 =	simm.s32 $0x1B8B  }
0x1a: {  	_ =	swait.ge [sflag:s24], $0x1  }
0x1b: {  	[sflag:s24] =	ssyncset.done $0x0  }
0x1c: {  	s26 =	simm.s32 $0x1B8E;
	s25 =	sld [smem:$0x3FFE];
	[sflag:s24] =	ssyncadd.s32 $0xFFFFFFFF  }
0x1d: {  	s27 =	simm.s32 $execute0_lowered;
	[smem:$0x3FD2] =	sst s26  }
0x1e: {  	s4 =	sshll.u32 s27, $0x1;
	_ =	strace $0x80000049;
	[dreg:$0x1] =	wrdreg $0xFFFFFFFF  }
0x1f: {  	s28 =	simm.s32 $_size_execute0_lowered;
	s1 =	sadd.s32 s1, s4;
	[dreg:$0x0] =	wrdreg $0x0  }
0x20: {  	s4 =	sshll.u32 s28, $0x1;
	[dreg:$0x2] =	wrdreg s1  }
0x21: {  	[dreg:$0x3] =	wrdreg s4  }
0x22: {  	[dreg:$0x4] =	wrdreg $0xC0  }
0x23: {  	_ =	task [dreg:s6], $0x5FFFF  }
0x24: {  	[dreg:$0x1] =	wrdreg $0xFFFFFFFF  }
0x25: {  	[dreg:$0x0] =	wrdreg $0x60  }
0x26: {  	[dreg:$0x2] =	wrdreg s25  }
0x27: {  	[dreg:$0x3] =	wrdreg $0x9  }
0x28: {  	_ =	task.clear_ibuf [dreg:s6], $0x4FFFF;
	_ =	strace $0x90000049  }
0x29: {  	s29 =	simm.s32 $0x9;
	_ =	strace $0x8000004B  }
0x2a: {  	_ =	swait.ge [sflag:s29], $0x1  }
0x2b: {  	[sflag:s29] =	ssyncadd.s32 $0xFFFFFFFF  }
0x2c: {  	_ =	strace $0x9000004B  }
0x2d: {  	_ =	sfence  }
0x2e: {  	s30 =	sld [smem:$0x0];
	_ =	sdelay $0x2  }
0x2f: {  	s31 =	sshll.u32 s3, $0xD;
	s3 =	sshrl.u32 s3, $0x2  }
0x30: {  	s2 =	sand.u32 $0x4000, s31;
	s1 =	sadd.s32 s3, s30  }
0x31: {  	s0 =	sor.u32 s2, s0;
	s1 =	sshll.u32 s1, $0x11  }
0x32: {  	s0 =	sor.u32 s1, s0  }
0x33: {  	s0 =	sadd.s32 $0x8F2B, s0  }
0x34: {  	[sflag:s0] =	ssyncadd.remote.s32 $0x1  }
0x35: {  	_ =	sfence.sel $0xFFFF  }
0x36: {  	[dreg:$0x0] =	wrdreg $0xFFFFFFFF;
	(pc) =	sbr.abs _section_cstart, $3  }
0x37: {  	[dreg:$0x1] =	wrdreg $0xFFFFFFFF  }
0x38: {  	_ =	task.clear_ibuf [dreg:s6], $0x2FFFF;
	_ =	strace $0x9FFFFFFF  }
0x39: {  	(tm) =	ssettm $0x7FFFFFFF  }
tec
execute0_lowered:
.L_overlay_start_1:
0x0: {  	(tag) =	ssettag $0x1  }
0x1: {  	s7 =	rddreg [dreg:$0x0]  }
0x2: {  	s1 =	stileid.u32;
	s3 =	srdreg.scid  }
0x3: {  	s0 =	rddreg [dreg:$0x1];
	_ =	strace $0x8000004A;
	s8 =	simm.s32 $0x1  }
0x4: {  	s31 =	simm.s32 $0x2;
	s14 =	simm.s32 $0x0;
	s13 =	simm.s32 $0x0  }
0x5: {  	s12 =	simm.s32 $0x0;
	s2 =	sshll.u32 s1, $0x7;
	s3 =	sshll.u32 s3, $0x7  }
0x6: {  	s3 =	sand.u32 $0x80, s3;
	s4 =	ssub.s32 $0x800, s2;
	s11 =	smov.u32 s2  }
0x7: {  	s5 =	sshrl.u32 s4, $0xB;
	s4 =	sand.u32 $0x780, s4;
	s6 =	ssub.s32 $0x1000, s3  }
0x8: {  	p0 =	sne.s32 s4, $0x0;
	s30 =	sshrl.u32 s6, $0x7;
	s6 =	sshrl.u32 s6, $0x8  }
.Ltmp0:
0x9: {  	s8 =	simm.s32 @!p0 $0x0;
	s9 =	sand.u32 $0x1, s30;
	(pc) =	sbr.rel .LBB1_1-.Ltmp0, $4  }
0xa: {  	s4 =	simm.s32 $0x1;
	s5 =	sadd.s32 s8, s5;
	s6 =	sadd.s32 s6, s9  }
0xb: {  	s10 =	smov.u32 s3;
	[sflag:s4] =	ssyncpa.u1 $0x0;
	s5 =	smul.u32 s5, s6  }
0xc: {  	p0 =	por $0x0, $0x0;
	[sflag:s31] =	ssyncpa.u1 $0x0;
	s9 =	simm.s32 $0x4000  }
0xd: {  	s6 =	sadd.s32 $0x1800, s7;
	s7 =	sadd.s32 $0x131800, s7;
	s8 =	sadd.s32 $0x1, s5  }
.LBB1_4:
0xe: {  	v5 =	vld [tilespmem:s17+$0xFFFFFFD0]  }
0xf: {  	[tilespmem:s18+$0x2040 ss:$0x81] =	vst.msk $0xffff, v1;
	v58 =	vld [tilespmem:s17+$0xFFFFFFE0]  }
0x10: {  	[tilespmem:s18+$0x2850 ss:$0x81] =	vst.msk $0xffff, v2;
	v59 =	vld [tilespmem:s17+$0xFFFFFFF0]  }
0x11: {  	s19 =	sshra.s32 s19, $0x2;
	[tilespmem:s18+$0x3060 ss:$0x81] =	vst.msk $0xffff, v3;
	v60 =	vld [tilespmem:s17+$0x0]  }
0x12: {  	[tilespmem:s18+$0x0 ss:$0x81] =	vst.msk $0xffff, v0;
	v61 =	vld [tilespmem:s17+$0x10];
	s16 =	sadd.s32 s19, s16  }
0x13: {  	s26 =	sshll.u32 s14, $0xB;
	v62 =	vld [tilespmem:s17+$0x20];
	[tilespmem:s16+$0x3870 ss:$0x81] =	vst.msk $0xffff, v4  }
0x14: {  	s27 =	sand.u32 $0x78, s13;
	s20 =	sshll.u32 s13, $0x3;
	v63 =	vld [tilespmem:s17+$0xFFFFFFC0];
	s29 =	sshll.u32 s14, $0x7;
	[tilespmem:s16+$0x810 ss:$0x81] =	vst.msk $0xffff, v5  }
0x15: {  	s18 =	sand.u32 $0x7FC000, s26;
	s28 =	sand.u32 $0x7FFC00, s20;
	s20 =	sand.u32 $0x400, s20;
	[tilespmem:s16+$0x1020 ss:$0x81] =	vst.msk $0xffff, v58  }
0x16: {  	s14 =	sand.u32 $0x380, s29;
	s17 =	sadd.s32 s28, s18;
	s30 =	sor.u32 s27, s20;
	[tilespmem:s16+$0x1830 ss:$0x81] =	vst.msk $0xffff, v59  }
0x17: {  	s17 =	sand.u32 $0x7FF800, s17;
	s14 =	sor.u32 s14, s30;
	[tilespmem:s16+$0x2040 ss:$0x81] =	vst.msk $0xffff, v60  }
0x18: {  	s31 =	sand.u32 $0x7, s13;
	s14 =	sor.u32 s17, s14;
	[tilespmem:s16+$0x2850 ss:$0x81] =	vst.msk $0xffff, v61  }
0x19: {  	s13 =	sshll.u32 s31, $0x12;
	[tilespmem:s16+$0x3060 ss:$0x81] =	vst.msk $0xffff, v62;
	s14 =	sshrl.u32 s14, $0x3  }
0x1a: {  	s13 =	sor.u32 $0x400, s13;
	[tilespmem:s16+$0x0 ss:$0x81] =	vst.msk $0xffff, v63;
	s14 =	sadd.s32 s7, s14  }
0x1b: {  	[hbm4b:s14+s13] =	stream.strided.scatter [tilespmem:s15], [sflag:$0x2], $0x4000, s9, s13, $0x20;
	[tilespmem:$0x10100] =	vst v63  }
.LBB1_5:
0x1c: {  	s15 =	sadd.s32 $0x100, s10  }
0x1d: {  	s13 =	sadd.s32 $0x800, s11;
	s17 =	smov.u32 s11;
	p2 =	sgt.s32 s15, $0xFFF  }
0x1e: {  	s17 =	smov.u32 @p2 s13  }
0x1f: {  	s15 =	smov.u32 @p2 s3;
	p2 =	sgt.s32 s17, $0x7FF  }
0x20: {  	s17 =	smov.u32 @p2 s2;
	p2 =	sne.s32 s12, s8  }
.Ltmp1:
0x21: {  	p1 =	slt.u32 s12, $0x2;
	(pc) =	sbr.rel @!p2 .LBB1_6-.Ltmp1, $4  }
0x22: {  	s16 =	simm.s32 @!p1 $0x2  }
0x23: {  	s14 =	smov.u32 s10;
	p0 =	por !p0, !p0;
	_ =	swait.ge @!p1 [sflag:s16], $0x4000  }
0x24: {  	s13 =	smov.u32 s11;
	[sflag:s16] =	ssyncset.done @!p1 $0x0;
	s10 =	smov.u32 s15  }
0x25: {  	s12 =	sadd.s32 $0x1, s12;
	[sflag:s16] =	ssyncadd.s32 @!p1 $0xFFFFC000;
	s11 =	smov.u32 s17  }
.LBB1_1:
0x26: {  	p1 =	sge.u32 s12, s5;
	s31 =	sadd.s32 $0xFFFFFFFF, s12  }
0x27: {  	s15 =	sand.u32 @!p1 $0x78, s10;
	s16 =	sshll.u32 @!p1 s11, $0xC;
	s17 =	sshll.u32 @!p1 s11, $0x7  }
0x28: {  	s18 =	sshll.u32 @!p1 s10, $0x3;
	s16 =	sand.u32 @!p1 $0x7F8000, s16;
	s17 =	sand.u32 @!p1 $0x380, s17  }
0x29: {  	s16 =	sadd.s32 @!p1 s16, s18;
	s18 =	sand.u32 @!p1 $0xC00, s18;
	s15 =	sor.u32 @!p1 s17, s15  }
0x2a: {  	s17 =	sxor.u32 @!p1 $0xFFFFFFFF, s12;
	s16 =	sand.u32 @!p1 $0x7FF000, s16;
	s15 =	sor.u32 @!p1 s18, s15  }
0x2b: {  	s17 =	sshll.u32 @!p1 s17, $0xE;
	s15 =	sor.u32 @!p1 s16, s15;
	s16 =	sand.u32 @!p1 $0x7, s10  }
0x2c: {  	s18 =	simm.s32 @!p1 $0x8000;
	s15 =	sshrl.u32 @!p1 s15, $0x3;
	s16 =	sshll.u32 @!p1 s16, $0x12  }
0x2d: {  	s17 =	sand.u32 @!p1 $0x4000, s17;
	s15 =	sadd.s32 @!p1 s6, s15;
	s16 =	sor.u32 @!p1 $0x400, s16  }
0x2e: {  	[tilespmem:s17], [sflag:$0x1] =	stream.strided.gather @!p1 [hbm4b:s15+s16], $0x4000, s18, s16, $0x38;
	[tilespmem:$0x10100] =	vst v63  }
0x2f: {  	p1 =	sge.u32 s31, s5  }
.Ltmp2:
0x30: {  	_ = 	snop;
	(pc) =	sbr.rel @p1 .LBB1_5-.Ltmp2, $1  }
0x31: {  	_ =	sdelay $0x3  }
0x32: {  	s15 =	simm.s32 $0x1  }
0x33: {  	_ =	swait.ge [sflag:s4], $0x4000;
	s15 =	simm.s32 @!p0 $0x0  }
0x34: {  	[sflag:s4] =	ssyncset.done $0x0;
	s16 =	sshll.u32 s15, $0xE  }
0x35: {  	[sflag:s4] =	ssyncadd.s32 $0xFFFFC000;
	s17 =	sor.u32 $0x40, s16  }
0x36: {  	s15 =	smul.u32 $0x10200, s15;
	v0 =	vld [tilespmem:s17+$0x30]  }
0x37: {  	v3 =	vld [tilespmem:s17+$0xFFFFFFD0]  }
0x38: {  	s15 =	sshrl.u32 s15, $0x2;
	v4 =	vld [tilespmem:s17+$0xFFFFFFE0]  }
0x39: {  	v5 =	vld [tilespmem:s17+$0xFFFFFFF0];
	s16 =	sor.u32 $0x8000, s15  }
0x3a: {  	s31 =	sand.u32 $0x1, s12;
	v1 =	vld [tilespmem:s17+$0x0];
	s18 =	sadd.s32 $0x0, s16  }
0x3b: {  	v2 =	vld [tilespmem:s17+$0x10];
	s15 =	smul.u32 $0x10200, s31;
	[tilespmem:s18+$0x3870 ss:$0x81] =	vst.msk $0xffff, v0  }
0x3c: {  	[tilespmem:s18+$0x810 ss:$0x81] =	vst.msk $0xffff, v3;
	v3 =	vld [tilespmem:s17+$0x20]  }
0x3d: {  	s15 =	sshrl.u32 s15, $0x2;
	v0 =	vld [tilespmem:s17+$0xFFFFFFC0];
	[tilespmem:s18+$0x1020 ss:$0x81] =	vst.msk $0xffff, v4;
	s17 =	sadd.s32 $0x80, s17  }
0x3e: {  	s19 =	simm.s32 $0x4;
	s20 =	simm.s32 $0x8;
	s15 =	sor.u32 $0x8000, s15;
	[tilespmem:s18+$0x1830 ss:$0x81] =	vst.msk $0xffff, v5;
	v4 =	vld [tilespmem:s17+$0x30]  }
.LBB1_3:
0x3f: {  	p1 =	sne.s32 s20, $0x1FC;
	v5 =	vld [tilespmem:s17+$0xFFFFFFD0];
	[tilespmem:s18+$0x2040 ss:$0x81] =	vst.msk $0xffff, v1  }
0x40: {  	v6 =	vld [tilespmem:s17+$0xFFFFFFE0];
	[tilespmem:s18+$0x2850 ss:$0x81] =	vst.msk $0xffff, v2  }
0x41: {  	s21 =	sshra.s32 s19, $0x2;
	s19 =	smov.u32 s20;
	v7 =	vld [tilespmem:s17+$0xFFFFFFF0];
	[tilespmem:s18+$0x3060 ss:$0x81] =	vst.msk $0xffff, v3  }
.Ltmp3:
0x42: {  	v1 =	vld [tilespmem:s17+$0x0];
	[tilespmem:s18+$0x0 ss:$0x81] =	vst.msk $0xffff, v0;
	s18 =	sadd.s32 s21, s16;
	(pc) =	sbr.rel @p1 .LBB1_3-.Ltmp3, $4  }
0x43: {  	v2 =	vld [tilespmem:s17+$0x10];
	[tilespmem:s18+$0x3870 ss:$0x81] =	vst.msk $0xffff, v4  }
0x44: {  	[tilespmem:s18+$0x810 ss:$0x81] =	vst.msk $0xffff, v5;
	v3 =	vld [tilespmem:s17+$0x20]  }
0x45: {  	v0 =	vld [tilespmem:s17+$0xFFFFFFC0];
	[tilespmem:s18+$0x1020 ss:$0x81] =	vst.msk $0xffff, v6;
	s17 =	sadd.s32 $0x80, s17  }
0x46: {  	s20 =	sadd.s32 $0x4, s20;
	v4 =	vld [tilespmem:s17+$0x30];
	[tilespmem:s18+$0x1830 ss:$0x81] =	vst.msk $0xffff, v7  }
.Ltmp4:
0x47: {  	_ = 	snop;
	(pc) =	sbr.rel .LBB1_4-.Ltmp4, $1  }
0x48: {  	_ =	sdelay $0x3  }
.LBB1_6:
0x49: {  	_ =	sfence.sel $0x180000  }
0x4a: {  	s2 =	simm.s32 $0x1;
	[bflag:$0x0] =	sbarrier.arrive $0xFFFF  }
0x4b: {  	s31 =	simm.s32 $0x2;
	[sflag:s2] =	ssyncpa.u1 $0x1  }
0x4c: {  	[sflag:s31] =	ssyncpa.u1 $0x1  }
0x4d: {  	p0 =	sne.s32 s1, $0x0;
	_ =	strace $0x9000004A  }
0x4e: {  	s0 =	sadd.s32 @!p0 $0x100000, s0;
	[bflag:$0x2] =	sbarrier.arrive $0xFFFF  }
0x4f: {  	[sflag:s0] =	ssyncadd.tile.s32 @!p0 $0x1;
	_ =	shalt  }
.Lfunc_end1:
_tile_overlayer_lowered:
.L_overlay_start_2:
0x50: {  	(tag) =	ssettag $0x2  }
0x51: {  	s0 =	rddreg [dreg:$0x0];
	s2 =	stileid.u32  }
0x52: {  	s1 =	rddreg [dreg:$0x1];
	p0 =	sne.s32 s2, $0x0  }
0x53: {  	s3 =	rddreg [dreg:$0x2];
	[bflag:$0x3] =	sbarrier.arrive $0xFFFF;
	s2 =	simm.s32 @!p0 $0x1C01  }
0x54: {  	[timem:s3], [sflag:s2] =	dma.local @!p0 [hbm:s0], s1  }
0x55: {  	s0 =	simm.s32 @!p0 $0x1  }
0x56: {  	_ =	swait.ge @!p0 [sflag:s0], s1  }
0x57: {  	s1 =	ssub.s32 @!p0 $0x0, s1;
	[sflag:s0] =	ssyncset.done @!p0 $0x0  }
0x58: {  	[sflag:s0] =	ssyncadd.s32 @!p0 s1  }
0x59: {  	[bflag:$0x3] =	sbarrier.arrive $0xFFFF  }
0x5a: {  	_ =	shalt  }

// kernel: sparse-core-data-format-call.2.cloned.1.call-start
scs
called_computation.2_lowered:
.L_overlay_start_0:
0x0: {  	s1 =	sld [smem:$0x3FD9]  }
0x1: {  	s2 =	sld [smem:$0x3FFE];
	_ =	sdelay $0x1  }
0x2: {  	s3 =	srdreg.scid  }
0x3: {  	s0 =	sand.u32 $0x1, s3  }
0x4: {  	s17 =	sshll.u32 s0, $0xA;
	s1 =	sadd.s32 s2, s1  }
0x5: {  	s1 =	sadd.s32 s1, s17  }
0x6: {  	[smem:$0x3FC6] =	sst s1  }
0x7: {  	_ = 	snop  }
0x8: {  	(tm) =	ssettm $0x1  }
0x9: {  	s18 =	sld [smem:$0x3FFB];
	_ =	sdelay $0x3  }
0xa: {  	_ =	strace s18  }
0xb: {  	s1 =	sld [smem:$0x3FFC];
	_ =	sdelay $0x3  }
0xc: {  	_ =	strace s1  }
0xd: {  	s1 =	sld [smem:$0x3FFD];
	_ =	sdelay $0x3  }
0xe: {  	_ =	strace s1  }
0xf: {  	_ =	strace $0x8FFFFFFF  }
0x10: {  	s19 =	sld [smem:$0x3FDB];
	_ =	sdelay $0x1  }
0x11: {  	s20 =	simm.s32 $_scs_section_size  }
0x12: {  	s4 =	simm.s32 $_size__tile_overlayer_lowered;
	s5 =	simm.s32 $_tile_overlayer_lowered  }
0x13: {  	s23 =	simm.s32 $0x1BFF;
	s22 =	sshll.u32 s5, $0x1;
	s1 =	sadd.s32 s20, s19  }
0x14: {  	s6 =	simm.s32 $0x0;
	s21 =	sshll.u32 s4, $0x1;
	s4 =	sadd.s32 s22, s1  }
0x15: {  	[timem:s6], [sflag:s23] =	dma.local [hbm:s4], s21  }
0x16: {  	_ =	swait.ge [sflag:s23], s21  }
0x17: {  	s2 =	ssub.s32 $0x0, s21;
	[sflag:s23] =	ssyncset.done $0x0  }
0x18: {  	[sflag:s23] =	ssyncadd.s32 s2;
	_ =	sdelay $0x1  }
0x19: {  	s24 =	simm.s32 $0x1B8B  }
0x1a: {  	_ =	swait.ge [sflag:s24], $0x1  }
0x1b: {  	[sflag:s24] =	ssyncset.done $0x0  }
0x1c: {  	s26 =	simm.s32 $0x1B8E;
	s25 =	sld [smem:$0x3FFE];
	[sflag:s24] =	ssyncadd.s32 $0xFFFFFFFF  }
0x1d: {  	s27 =	simm.s32 $execute0_lowered;
	[smem:$0x3FD2] =	sst s26  }
0x1e: {  	s4 =	sshll.u32 s27, $0x1;
	_ =	strace $0x80000046;
	[dreg:$0x1] =	wrdreg $0xFFFFFFFF  }
0x1f: {  	s28 =	simm.s32 $_size_execute0_lowered;
	s1 =	sadd.s32 s1, s4;
	[dreg:$0x0] =	wrdreg $0x0  }
0x20: {  	s4 =	sshll.u32 s28, $0x1;
	[dreg:$0x2] =	wrdreg s1  }
0x21: {  	[dreg:$0x3] =	wrdreg s4  }
0x22: {  	[dreg:$0x4] =	wrdreg $0xC0  }
0x23: {  	_ =	task [dreg:s6], $0x5FFFF  }
0x24: {  	[dreg:$0x1] =	wrdreg $0xFFFFFFFF  }
0x25: {  	[dreg:$0x0] =	wrdreg $0x60  }
0x26: {  	[dreg:$0x2] =	wrdreg s25  }
0x27: {  	[dreg:$0x3] =	wrdreg $0x9  }
0x28: {  	_ =	task.clear_ibuf [dreg:s6], $0x4FFFF;
	_ =	strace $0x90000046  }
0x29: {  	s29 =	simm.s32 $0x9;
	_ =	strace $0x80000048  }
0x2a: {  	_ =	swait.ge [sflag:s29], $0x1  }
0x2b: {  	[sflag:s29] =	ssyncadd.s32 $0xFFFFFFFF  }
0x2c: {  	_ =	strace $0x90000048  }
0x2d: {  	_ =	sfence  }
0x2e: {  	s30 =	sld [smem:$0x0];
	_ =	sdelay $0x2  }
0x2f: {  	s31 =	sshll.u32 s3, $0xD;
	s3 =	sshrl.u32 s3, $0x2  }
0x30: {  	s2 =	sand.u32 $0x4000, s31;
	s1 =	sadd.s32 s3, s30  }
0x31: {  	s0 =	sor.u32 s2, s0;
	s1 =	sshll.u32 s1, $0x11  }
0x32: {  	s0 =	sor.u32 s1, s0  }
0x33: {  	s0 =	sadd.s32 $0x8F2B, s0  }
0x34: {  	[sflag:s0] =	ssyncadd.remote.s32 $0x1  }
0x35: {  	_ =	sfence.sel $0xFFFF  }
0x36: {  	[dreg:$0x0] =	wrdreg $0xFFFFFFFF;
	(pc) =	sbr.abs _section_cstart, $3  }
0x37: {  	[dreg:$0x1] =	wrdreg $0xFFFFFFFF  }
0x38: {  	_ =	task.clear_ibuf [dreg:s6], $0x2FFFF;
	_ =	strace $0x9FFFFFFF  }
0x39: {  	(tm) =	ssettm $0x7FFFFFFF  }
tec
execute0_lowered:
.L_overlay_start_1:
0x0: {  	(tag) =	ssettag $0x1  }
0x1: {  	s0 =	srdreg.scid  }
0x2: {  	s1 =	sshll.u32 s0, $0x4  }
0x3: {  	s6 =	rddreg [dreg:$0x0];
	s0 =	stileid.u32;
	s1 =	sand.u32 $0x10, s1  }
0x4: {  	s5 =	simm.s32 $0x1;
	s31 =	simm.s32 $0x2;
	s1 =	sor.u32 s0, s1  }
0x5: {  	s13 =	simm.s32 $0x0;
	s8 =	simm.s32 $0x8000;
	s2 =	sshll.u32 s1, $0x7  }
0x6: {  	s12 =	simm.s32 $0x0;
	s9 =	simm.s32 $0x0;
	s3 =	ssub.s32 $0x1000, s2  }
0x7: {  	s11 =	simm.s32 $0x0;
	s1 =	rddreg [dreg:$0x1];
	s4 =	sand.u32 $0xF80, s3  }
.Ltmp0:
0x8: {  	_ =	strace $0x80000047;
	p0 =	sne.s32 s4, $0x0;
	(pc) =	sbr.rel .LBB1_1-.Ltmp0, $4  }
0x9: {  	s10 =	smov.u32 s2;
	s7 =	sshrl.u32 s3, $0xC;
	s5 =	simm.s32 @!p0 $0x0  }
0xa: {  	s3 =	sadd.s32 $0x131800, s6;
	s4 =	simm.s32 $0x1;
	s5 =	sadd.s32 s5, s7  }
0xb: {  	s6 =	sadd.s32 $0x531800, s6;
	[sflag:s4] =	ssyncpa.u1 $0x0;
	s5 =	sshll.u32 s5, $0x6  }
0xc: {  	p0 =	por $0x0, $0x0;
	[sflag:s31] =	ssyncpa.u1 $0x0;
	s7 =	sor.u32 $0x1, s5  }
.LBB1_4:
0xd: {  	v5 =	vld [tilespmem:s16+$0xFFFFFFD0]  }
0xe: {  	[tilespmem:s17+$0x2040 ss:$0x81] =	vst.msk $0xffff, v1;
	v58 =	vld [tilespmem:s16+$0xFFFFFFE0]  }
0xf: {  	[tilespmem:s17+$0x2850 ss:$0x81] =	vst.msk $0xffff, v2;
	v59 =	vld [tilespmem:s16+$0xFFFFFFF0]  }
0x10: {  	s18 =	sshra.s32 s18, $0x2;
	[tilespmem:s17+$0x3060 ss:$0x81] =	vst.msk $0xffff, v3;
	v60 =	vld [tilespmem:s16+$0x0]  }
0x11: {  	[tilespmem:s17+$0x0 ss:$0x81] =	vst.msk $0xffff, v0;
	v61 =	vld [tilespmem:s16+$0x10];
	s15 =	sadd.s32 s18, s15  }
0x12: {  	s26 =	sshll.u32 s13, $0xC;
	v62 =	vld [tilespmem:s16+$0x20];
	[tilespmem:s15+$0x3870 ss:$0x81] =	vst.msk $0xffff, v4  }
0x13: {  	s27 =	sand.u32 $0x78, s12;
	s19 =	sshll.u32 s12, $0x3;
	v63 =	vld [tilespmem:s16+$0xFFFFFFC0];
	s29 =	sshll.u32 s13, $0x7;
	[tilespmem:s15+$0x810 ss:$0x81] =	vst.msk $0xffff, v5  }
0x14: {  	s17 =	sand.u32 $0x1FF8000, s26;
	s28 =	sand.u32 $0x1FFFC00, s19;
	s19 =	sand.u32 $0xC00, s19;
	[tilespmem:s15+$0x1020 ss:$0x81] =	vst.msk $0xffff, v58  }
0x15: {  	s13 =	sand.u32 $0x380, s29;
	s16 =	sadd.s32 s28, s17;
	s30 =	sor.u32 s27, s19;
	[tilespmem:s15+$0x1830 ss:$0x81] =	vst.msk $0xffff, v59  }
0x16: {  	s16 =	sand.u32 $0x1FFF000, s16;
	s13 =	sor.u32 s13, s30;
	[tilespmem:s15+$0x2040 ss:$0x81] =	vst.msk $0xffff, v60  }
0x17: {  	s31 =	sand.u32 $0x7, s12;
	s13 =	sor.u32 s16, s13;
	[tilespmem:s15+$0x2850 ss:$0x81] =	vst.msk $0xffff, v61  }
0x18: {  	s12 =	sshll.u32 s31, $0x12;
	[tilespmem:s15+$0x3060 ss:$0x81] =	vst.msk $0xffff, v62;
	s13 =	sshrl.u32 s13, $0x3  }
0x19: {  	s12 =	sor.u32 $0x400, s12;
	[tilespmem:s15+$0x0 ss:$0x81] =	vst.msk $0xffff, v63;
	s13 =	sadd.s32 s6, s13  }
0x1a: {  	[hbm4b:s13+s12] =	stream.strided.scatter [tilespmem:s14], [sflag:$0x2], $0x4000, s8, s12, $0x20;
	[tilespmem:$0x10100] =	vst v63  }
.LBB1_5:
0x1b: {  	s14 =	sadd.s32 $0x80, s9  }
0x1c: {  	s12 =	sadd.s32 $0x1000, s10;
	s16 =	smov.u32 s10;
	p2 =	sgt.s32 s14, $0x1FFF  }
0x1d: {  	s16 =	smov.u32 @p2 s12  }
0x1e: {  	s14 =	simm.s32 @p2 $0x0;
	p2 =	sgt.s32 s16, $0xFFF  }
0x1f: {  	s16 =	smov.u32 @p2 s2;
	p2 =	sne.s32 s11, s7  }
.Ltmp1:
0x20: {  	p1 =	slt.u32 s11, $0x2;
	(pc) =	sbr.rel @!p2 .LBB1_6-.Ltmp1, $4  }
0x21: {  	s15 =	simm.s32 @!p1 $0x2  }
0x22: {  	s13 =	smov.u32 s9;
	p0 =	por !p0, !p0;
	_ =	swait.ge @!p1 [sflag:s15], $0x4000  }
0x23: {  	s12 =	smov.u32 s10;
	[sflag:s15] =	ssyncset.done @!p1 $0x0;
	s9 =	smov.u32 s14  }
0x24: {  	s11 =	sadd.s32 $0x1, s11;
	[sflag:s15] =	ssyncadd.s32 @!p1 $0xFFFFC000;
	s10 =	smov.u32 s16  }
.LBB1_1:
0x25: {  	p1 =	sge.u32 s11, s5;
	s31 =	sadd.s32 $0xFFFFFFFF, s11  }
0x26: {  	s14 =	sand.u32 @!p1 $0x78, s9;
	s15 =	sshll.u32 @!p1 s10, $0xD;
	s16 =	sshll.u32 @!p1 s10, $0x7  }
0x27: {  	s17 =	sshll.u32 @!p1 s9, $0x3;
	s15 =	sand.u32 @!p1 $0x1FF0000, s15;
	s16 =	sand.u32 @!p1 $0x380, s16  }
0x28: {  	s15 =	sadd.s32 @!p1 s15, s17;
	s17 =	sand.u32 @!p1 $0x1C00, s17;
	s14 =	sor.u32 @!p1 s16, s14  }
0x29: {  	s16 =	sxor.u32 @!p1 $0xFFFFFFFF, s11;
	s15 =	sand.u32 @!p1 $0x1FFE000, s15;
	s14 =	sor.u32 @!p1 s17, s14  }
0x2a: {  	s16 =	sshll.u32 @!p1 s16, $0xE;
	s14 =	sor.u32 @!p1 s15, s14;
	s15 =	sand.u32 @!p1 $0x7, s9  }
0x2b: {  	s17 =	simm.s32 @!p1 $0x10000;
	s14 =	sshrl.u32 @!p1 s14, $0x3;
	s15 =	sshll.u32 @!p1 s15, $0x12  }
0x2c: {  	s16 =	sand.u32 @!p1 $0x4000, s16;
	s14 =	sadd.s32 @!p1 s3, s14;
	s15 =	sor.u32 @!p1 $0x400, s15  }
0x2d: {  	[tilespmem:s16], [sflag:$0x1] =	stream.strided.gather @!p1 [hbm4b:s14+s15], $0x4000, s17, s15, $0x38;
	[tilespmem:$0x10100] =	vst v63  }
0x2e: {  	p1 =	sge.u32 s31, s5  }
.Ltmp2:
0x2f: {  	_ = 	snop;
	(pc) =	sbr.rel @p1 .LBB1_5-.Ltmp2, $1  }
0x30: {  	_ =	sdelay $0x3  }
0x31: {  	s14 =	simm.s32 $0x1  }
0x32: {  	_ =	swait.ge [sflag:s4], $0x4000;
	s14 =	simm.s32 @!p0 $0x0  }
0x33: {  	[sflag:s4] =	ssyncset.done $0x0;
	s15 =	sshll.u32 s14, $0xE  }
0x34: {  	[sflag:s4] =	ssyncadd.s32 $0xFFFFC000;
	s16 =	sor.u32 $0x40, s15  }
0x35: {  	s14 =	smul.u32 $0x10200, s14;
	v0 =	vld [tilespmem:s16+$0x30]  }
0x36: {  	v3 =	vld [tilespmem:s16+$0xFFFFFFD0]  }
0x37: {  	s14 =	sshrl.u32 s14, $0x2;
	v4 =	vld [tilespmem:s16+$0xFFFFFFE0]  }
0x38: {  	v5 =	vld [tilespmem:s16+$0xFFFFFFF0];
	s15 =	sor.u32 $0x8000, s14  }
0x39: {  	s31 =	sand.u32 $0x1, s11;
	v1 =	vld [tilespmem:s16+$0x0];
	s17 =	sadd.s32 $0x0, s15  }
0x3a: {  	v2 =	vld [tilespmem:s16+$0x10];
	s14 =	smul.u32 $0x10200, s31;
	[tilespmem:s17+$0x3870 ss:$0x81] =	vst.msk $0xffff, v0  }
0x3b: {  	[tilespmem:s17+$0x810 ss:$0x81] =	vst.msk $0xffff, v3;
	v3 =	vld [tilespmem:s16+$0x20]  }
0x3c: {  	s14 =	sshrl.u32 s14, $0x2;
	v0 =	vld [tilespmem:s16+$0xFFFFFFC0];
	[tilespmem:s17+$0x1020 ss:$0x81] =	vst.msk $0xffff, v4;
	s16 =	sadd.s32 $0x80, s16  }
0x3d: {  	s18 =	simm.s32 $0x4;
	s19 =	simm.s32 $0x8;
	s14 =	sor.u32 $0x8000, s14;
	[tilespmem:s17+$0x1830 ss:$0x81] =	vst.msk $0xffff, v5;
	v4 =	vld [tilespmem:s16+$0x30]  }
.LBB1_3:
0x3e: {  	p1 =	sne.s32 s19, $0x1FC;
	v5 =	vld [tilespmem:s16+$0xFFFFFFD0];
	[tilespmem:s17+$0x2040 ss:$0x81] =	vst.msk $0xffff, v1  }
0x3f: {  	v6 =	vld [tilespmem:s16+$0xFFFFFFE0];
	[tilespmem:s17+$0x2850 ss:$0x81] =	vst.msk $0xffff, v2  }
0x40: {  	s20 =	sshra.s32 s18, $0x2;
	s18 =	smov.u32 s19;
	v7 =	vld [tilespmem:s16+$0xFFFFFFF0];
	[tilespmem:s17+$0x3060 ss:$0x81] =	vst.msk $0xffff, v3  }
.Ltmp3:
0x41: {  	v1 =	vld [tilespmem:s16+$0x0];
	[tilespmem:s17+$0x0 ss:$0x81] =	vst.msk $0xffff, v0;
	s17 =	sadd.s32 s20, s15;
	(pc) =	sbr.rel @p1 .LBB1_3-.Ltmp3, $4  }
0x42: {  	v2 =	vld [tilespmem:s16+$0x10];
	[tilespmem:s17+$0x3870 ss:$0x81] =	vst.msk $0xffff, v4  }
0x43: {  	[tilespmem:s17+$0x810 ss:$0x81] =	vst.msk $0xffff, v5;
	v3 =	vld [tilespmem:s16+$0x20]  }
0x44: {  	v0 =	vld [tilespmem:s16+$0xFFFFFFC0];
	[tilespmem:s17+$0x1020 ss:$0x81] =	vst.msk $0xffff, v6;
	s16 =	sadd.s32 $0x80, s16  }
0x45: {  	s19 =	sadd.s32 $0x4, s19;
	v4 =	vld [tilespmem:s16+$0x30];
	[tilespmem:s17+$0x1830 ss:$0x81] =	vst.msk $0xffff, v7  }
.Ltmp4:
0x46: {  	_ = 	snop;
	(pc) =	sbr.rel .LBB1_4-.Ltmp4, $1  }
0x47: {  	_ =	sdelay $0x3  }
.LBB1_6:
0x48: {  	_ =	sfence.sel $0x180000  }
0x49: {  	s2 =	simm.s32 $0x1;
	[bflag:$0x0] =	sbarrier.arrive $0xFFFF  }
0x4a: {  	s31 =	simm.s32 $0x2;
	[sflag:s2] =	ssyncpa.u1 $0x1  }
0x4b: {  	[sflag:s31] =	ssyncpa.u1 $0x1  }
0x4c: {  	p0 =	sne.s32 s0, $0x0;
	_ =	strace $0x90000047  }
0x4d: {  	s0 =	sadd.s32 @!p0 $0x100000, s1;
	[bflag:$0x2] =	sbarrier.arrive $0xFFFF  }
0x4e: {  	[sflag:s0] =	ssyncadd.tile.s32 @!p0 $0x1;
	_ =	shalt  }
.Lfunc_end1:
_tile_overlayer_lowered:
.L_overlay_start_2:
0x4f: {  	(tag) =	ssettag $0x2  }
0x50: {  	s0 =	rddreg [dreg:$0x0];
	s2 =	stileid.u32  }
0x51: {  	s1 =	rddreg [dreg:$0x1];
	p0 =	sne.s32 s2, $0x0  }
0x52: {  	s3 =	rddreg [dreg:$0x2];
	[bflag:$0x3] =	sbarrier.arrive $0xFFFF;
	s2 =	simm.s32 @!p0 $0x1C01  }
0x53: {  	[timem:s3], [sflag:s2] =	dma.local @!p0 [hbm:s0], s1  }
0x54: {  	s0 =	simm.s32 @!p0 $0x1  }
0x55: {  	_ =	swait.ge @!p0 [sflag:s0], s1  }
0x56: {  	s1 =	ssub.s32 @!p0 $0x0, s1;
	[sflag:s0] =	ssyncset.done @!p0 $0x0  }
0x57: {  	[sflag:s0] =	ssyncadd.s32 @!p0 s1  }
0x58: {  	[bflag:$0x3] =	sbarrier.arrive $0xFFFF  }
0x59: {  	_ =	shalt  }

// kernel: sparse-core-data-format-call.cloned.1.call-start
scs
called_computation_lowered:
.L_overlay_start_0:
0x0: {  	s1 =	sld [smem:$0x3FD9]  }
0x1: {  	s2 =	sld [smem:$0x3FFE];
	_ =	sdelay $0x1  }
0x2: {  	s3 =	srdreg.scid  }
0x3: {  	s0 =	sand.u32 $0x1, s3  }
0x4: {  	s17 =	sshll.u32 s0, $0xA;
	s1 =	sadd.s32 s2, s1  }
0x5: {  	s1 =	sadd.s32 s1, s17  }
0x6: {  	[smem:$0x3FC6] =	sst s1  }
0x7: {  	_ = 	snop  }
0x8: {  	(tm) =	ssettm $0x1  }
0x9: {  	s18 =	sld [smem:$0x3FFB];
	_ =	sdelay $0x3  }
0xa: {  	_ =	strace s18  }
0xb: {  	s1 =	sld [smem:$0x3FFC];
	_ =	sdelay $0x3  }
0xc: {  	_ =	strace s1  }
0xd: {  	s1 =	sld [smem:$0x3FFD];
	_ =	sdelay $0x3  }
0xe: {  	_ =	strace s1  }
0xf: {  	_ =	strace $0x8FFFFFFF  }
0x10: {  	s19 =	sld [smem:$0x3FDB];
	_ =	sdelay $0x1  }
0x11: {  	s20 =	simm.s32 $_scs_section_size  }
0x12: {  	s4 =	simm.s32 $_size__tile_overlayer_lowered;
	s5 =	simm.s32 $_tile_overlayer_lowered  }
0x13: {  	s23 =	simm.s32 $0x1BFF;
	s22 =	sshll.u32 s5, $0x1;
	s1 =	sadd.s32 s20, s19  }
0x14: {  	s6 =	simm.s32 $0x0;
	s21 =	sshll.u32 s4, $0x1;
	s4 =	sadd.s32 s22, s1  }
0x15: {  	[timem:s6], [sflag:s23] =	dma.local [hbm:s4], s21  }
0x16: {  	_ =	swait.ge [sflag:s23], s21  }
0x17: {  	s2 =	ssub.s32 $0x0, s21;
	[sflag:s23] =	ssyncset.done $0x0  }
0x18: {  	[sflag:s23] =	ssyncadd.s32 s2;
	_ =	sdelay $0x1  }
0x19: {  	s24 =	simm.s32 $0x1B8B  }
0x1a: {  	_ =	swait.ge [sflag:s24], $0x1  }
0x1b: {  	[sflag:s24] =	ssyncset.done $0x0  }
0x1c: {  	s26 =	simm.s32 $0x1B8E;
	s25 =	sld [smem:$0x3FFE];
	[sflag:s24] =	ssyncadd.s32 $0xFFFFFFFF  }
0x1d: {  	s27 =	simm.s32 $execute0_lowered;
	[smem:$0x3FD2] =	sst s26  }
0x1e: {  	s4 =	sshll.u32 s27, $0x1;
	_ =	strace $0x8000004C;
	[dreg:$0x1] =	wrdreg $0xFFFFFFFF  }
0x1f: {  	s28 =	simm.s32 $_size_execute0_lowered;
	s1 =	sadd.s32 s1, s4;
	[dreg:$0x0] =	wrdreg $0x0  }
0x20: {  	s4 =	sshll.u32 s28, $0x1;
	[dreg:$0x2] =	wrdreg s1  }
0x21: {  	[dreg:$0x3] =	wrdreg s4  }
0x22: {  	[dreg:$0x4] =	wrdreg $0xC0  }
0x23: {  	_ =	task [dreg:s6], $0x5FFFF  }
0x24: {  	[dreg:$0x1] =	wrdreg $0xFFFFFFFF  }
0x25: {  	[dreg:$0x0] =	wrdreg $0x60  }
0x26: {  	[dreg:$0x2] =	wrdreg s25  }
0x27: {  	[dreg:$0x3] =	wrdreg $0x9  }
0x28: {  	_ =	task.clear_ibuf [dreg:s6], $0x4FFFF;
	_ =	strace $0x9000004C  }
0x29: {  	s29 =	simm.s32 $0x9;
	_ =	strace $0x8000004E  }
0x2a: {  	_ =	swait.ge [sflag:s29], $0x1  }
0x2b: {  	[sflag:s29] =	ssyncadd.s32 $0xFFFFFFFF  }
0x2c: {  	_ =	strace $0x9000004E  }
0x2d: {  	_ =	sfence  }
0x2e: {  	s30 =	sld [smem:$0x0];
	_ =	sdelay $0x2  }
0x2f: {  	s31 =	sshll.u32 s3, $0xD;
	s3 =	sshrl.u32 s3, $0x2  }
0x30: {  	s2 =	sand.u32 $0x4000, s31;
	s1 =	sadd.s32 s3, s30  }
0x31: {  	s0 =	sor.u32 s2, s0;
	s1 =	sshll.u32 s1, $0x11  }
0x32: {  	s0 =	sor.u32 s1, s0  }
0x33: {  	s0 =	sadd.s32 $0x8F2B, s0  }
0x34: {  	[sflag:s0] =	ssyncadd.remote.s32 $0x1  }
0x35: {  	_ =	sfence.sel $0xFFFF  }
0x36: {  	[dreg:$0x0] =	wrdreg $0xFFFFFFFF;
	(pc) =	sbr.abs _section_cstart, $3  }
0x37: {  	[dreg:$0x1] =	wrdreg $0xFFFFFFFF  }
0x38: {  	_ =	task.clear_ibuf [dreg:s6], $0x2FFFF;
	_ =	strace $0x9FFFFFFF  }
0x39: {  	(tm) =	ssettm $0x7FFFFFFF  }
tec
execute0_lowered:
.L_overlay_start_1:
0x0: {  	(tag) =	ssettag $0x1  }
0x1: {  	s1 =	rddreg [dreg:$0x0]  }
0x2: {  	s0 =	rddreg [dreg:$0x1]  }
0x3: {  	_ =	strace $0x8000004D;
	s4 =	srdreg.scid;
	s6 =	simm.s32 $0x2  }
.Ltmp0:
0x4: {  	p0 =	por $0x0, $0x0;
	s9 =	simm.s32 $0x0;
	(pc) =	sbr.rel .LBB1_1-.Ltmp0, $4  }
0x5: {  	s2 =	sadd.s32 $0x131800, s1;
	s3 =	sadd.s32 $0x1800, s1;
	s5 =	sshll.u32 s4, $0x4  }
0x6: {  	s1 =	stileid.u32;
	s4 =	simm.s32 $0x1;
	s5 =	sand.u32 $0x10, s5  }
0x7: {  	s7 =	simm.s32 $0x0;
	[sflag:s4] =	ssyncpa.u1 $0x0;
	s5 =	sor.u32 s1, s5  }
0x8: {  	[sflag:s6] =	ssyncpa.u1 $0x0;
	s6 =	simm.s32 $0x0;
	s8 =	smov.u32 s5  }
.LBB1_7:
0x9: {  	s11 =	sadd.s32 $0x20, s8  }
0xa: {  	p1 =	slt.u32 s7, $0x2;
	s7 =	sadd.s32 $0x1, s7;
	p2 =	sgt.s32 s11, $0x1FF  }
0xb: {  	s11 =	smov.u32 @p2 s5;
	p2 =	sne.s32 s7, $0x12  }
.Ltmp1:
0xc: {  	_ = 	snop;
	(pc) =	sbr.rel @!p2 .LBB1_8-.Ltmp1, $4  }
0xd: {  	s10 =	simm.s32 @!p1 $0x2  }
0xe: {  	_ =	swait.ge @!p1 [sflag:s10], $0x4000  }
0xf: {  	s9 =	smov.u32 s8;
	[sflag:s10] =	ssyncset.done @!p1 $0x0  }
0x10: {  	p0 =	por !p0, !p0;
	s8 =	smov.u32 s11;
	[sflag:s10] =	ssyncadd.s32 @!p1 $0xFFFFC000  }
.LBB1_1:
0x11: {  	p1 =	sgt.u32 s7, $0xF  }
0x12: {  	s10 =	sxor.u32 @!p1 $0xFFFFFFFF, s7  }
0x13: {  	s11 =	sshll.u32 @!p1 s8, $0xB;
	s10 =	sshll.u32 @!p1 s10, $0xE  }
0x14: {  	s12 =	simm.s32 @!p1 $0x0;
	s11 =	sadd.s32 @!p1 s2, s11;
	s10 =	sand.u32 @!p1 $0x4000, s10  }
0x15: {  	[tilespmem:s10], [sflag:$0x1] =	stream.linear.gather @!p1 [hbm4b:s11+s12], $0x4000, $0x38;
	[tilespmem:$0x10000] =	vst v63  }
0x16: {  	p1 =	seq.s32 s7, $0x0  }
0x17: {  	p2 =	seq.s32 @!p1 s7, $0x11  }
0x18: {  	p1 =	por p1, p2  }
.Ltmp2:
0x19: {  	_ = 	snop;
	(pc) =	sbr.rel @p1 .LBB1_7-.Ltmp2, $1  }
0x1a: {  	_ =	sdelay $0x3  }
0x1b: {  	s10 =	simm.s32 $0x1;
	_ =	swait.ge [sflag:s4], $0x4000;
	s12 =	sshll.u32 s7, $0xE  }
0x1c: {  	s13 =	simm.s32 $0x0;
	s10 =	simm.s32 @!p0 $0x0;
	[sflag:s4] =	ssyncset.done $0x0  }
0x1d: {  	s12 =	sand.u32 $0x4000, s12;
	s11 =	sshll.u32 s10, $0xE;
	[sflag:s4] =	ssyncadd.s32 $0xFFFFC000  }
0x1e: {  	s12 =	sor.u32 $0x8000, s12;
	s10 =	sor.u32 $0x8040, s11;
	s11 =	sor.u32 $0x40, s11  }
.LBB1_3:
0x1f: {  	v0 =	vmov s11;
	_ =	sdelay $0x3  }
0x20: {  	s15 =	simm.s32 $0x0  }
0x21: {  	v6 =	vld.idx.msk [tilespmem:v0+s15+$0x30 ss:$0x1], $0xffff  }
0x22: {  	v7 =	vld.idx.msk [tilespmem:v0+s15+$0xFFFFFFC0 ss:$0x1], $0xffff  }
0x23: {  	v5 =	vld.idx.msk [tilespmem:v0+s15+$0xFFFFFFD0 ss:$0x1], $0xffff  }
0x24: {  	v4 =	vld.idx.msk [tilespmem:v0+s15+$0xFFFFFFE0 ss:$0x1], $0xffff  }
0x25: {  	v3 =	vld.idx.msk [tilespmem:v0+s15+$0xFFFFFFF0 ss:$0x1], $0xffff  }
0x26: {  	v1 =	vld.idx.msk [tilespmem:v0+s15+$0x0 ss:$0x1], $0xffff  }
0x27: {  	v2 =	vld.idx.msk [tilespmem:v0+s15+$0x10 ss:$0x1], $0xffff;
	[tilespmem:s10+$0x30] =	vst v6  }
0x28: {  	s14 =	simm.s32 $0x80;
	s16 =	simm.s32 $0x400;
	[tilespmem:s10+$0xFFFFFFC0] =	vst v7;
	v6 =	vld.idx.msk [tilespmem:v0+s15+$0x20 ss:$0x1], $0xffff;
	s15 =	smov.u32 s10  }
.LBB1_4:
0x29: {  	p1 =	sne.s32 s16, $0xE00;
	v7 =	vld.idx.msk [tilespmem:v0+s14+$0x30 ss:$0x1], $0xffff;
	[tilespmem:s15+$0xFFFFFFD0] =	vst v5  }
0x2a: {  	v8 =	vld.idx.msk [tilespmem:v0+s14+$0xFFFFFFC0 ss:$0x1], $0xffff;
	[tilespmem:s15+$0xFFFFFFE0] =	vst v4  }
0x2b: {  	v5 =	vld.idx.msk [tilespmem:v0+s14+$0xFFFFFFD0 ss:$0x1], $0xffff;
	[tilespmem:s15+$0xFFFFFFF0] =	vst v3  }
.Ltmp3:
0x2c: {  	v4 =	vld.idx.msk [tilespmem:v0+s14+$0xFFFFFFE0 ss:$0x1], $0xffff;
	[tilespmem:s15+$0x0] =	vst v1;
	(pc) =	sbr.rel @p1 .LBB1_4-.Ltmp3, $4  }
0x2d: {  	v3 =	vld.idx.msk [tilespmem:v0+s14+$0xFFFFFFF0 ss:$0x1], $0xffff;
	[tilespmem:s15+$0x10] =	vst v2  }
0x2e: {  	v1 =	vld.idx.msk [tilespmem:v0+s14+$0x0 ss:$0x1], $0xffff;
	[tilespmem:s15+$0x20] =	vst v6;
	s15 =	sadd.s32 $0x800, s15  }
0x2f: {  	v2 =	vld.idx.msk [tilespmem:v0+s14+$0x10 ss:$0x1], $0xffff;
	[tilespmem:s15+$0x30] =	vst v7  }
0x30: {  	[tilespmem:s15+$0xFFFFFFC0] =	vst v8;
	v6 =	vld.idx.msk [tilespmem:v0+s14+$0x20 ss:$0x1], $0xffff;
	s14 =	sshra.s32 s16, $0x2;
	s16 =	sadd.s32 $0x200, s16  }
0x31: {  	_ =	sdelay $0x2  }
0x32: {  	[tilespmem:s15+$0xFFFFFFD0] =	vst v5  }
0x33: {  	v56 =	vld.idx.msk [tilespmem:v0+s14+$0x30 ss:$0x1], $0xffff;
	[tilespmem:s15+$0xFFFFFFE0] =	vst v4  }
0x34: {  	v57 =	vld.idx.msk [tilespmem:v0+s14+$0xFFFFFFC0 ss:$0x1], $0xffff;
	[tilespmem:s15+$0xFFFFFFF0] =	vst v3  }
0x35: {  	v58 =	vld.idx.msk [tilespmem:v0+s14+$0xFFFFFFD0 ss:$0x1], $0xffff;
	[tilespmem:s15+$0x0] =	vst v1  }
0x36: {  	v59 =	vld.idx.msk [tilespmem:v0+s14+$0xFFFFFFE0 ss:$0x1], $0xffff;
	[tilespmem:s15+$0x10] =	vst v2  }
0x37: {  	v60 =	vld.idx.msk [tilespmem:v0+s14+$0xFFFFFFF0 ss:$0x1], $0xffff;
	s31 =	sadd.s32 $0x800, s15;
	[tilespmem:s15+$0x20] =	vst v6  }
0x38: {  	v61 =	vld.idx.msk [tilespmem:v0+s14+$0x0 ss:$0x1], $0xffff;
	[tilespmem:s31+$0x30] =	vst v56  }
0x39: {  	v62 =	vld.idx.msk [tilespmem:v0+s14+$0x10 ss:$0x1], $0xffff;
	s13 =	sadd.s32 $0x1, s13;
	[tilespmem:s31+$0xFFFFFFC0] =	vst v57  }
0x3a: {  	v63 =	vld.idx.msk [tilespmem:v0+s14+$0x20 ss:$0x1], $0xffff;
	p1 =	sne.s32 s13, $0x10;
	[tilespmem:s31+$0xFFFFFFD0] =	vst v58  }
.Ltmp4:
0x3b: {  	[tilespmem:s31+$0xFFFFFFE0] =	vst v59;
	(pc) =	sbr.rel @p1 .LBB1_3-.Ltmp4, $4  }
0x3c: {  	[tilespmem:s31+$0xFFFFFFF0] =	vst v60  }
0x3d: {  	[tilespmem:s31+$0x0] =	vst v61  }
0x3e: {  	[tilespmem:s31+$0x10] =	vst v62  }
0x3f: {  	s10 =	sadd.s32 $0x80, s10;
	s11 =	sadd.s32 $0x400, s11;
	[tilespmem:s31+$0x20] =	vst v63  }
.Ltmp5:
0x40: {  	(pc) =	sbr.rel .LBB1_7-.Ltmp5, $4  }
0x41: {  	_ = 	snop  }
0x42: {  	s9 =	sshll.u32 s9, $0xB  }
0x43: {  	s9 =	sadd.s32 s3, s9  }
0x44: {  	[hbm4b:s9+s6] =	stream.linear.scatter [tilespmem:s12], [sflag:$0x2], $0x4000, $0x38;
	[tilespmem:$0x10000] =	vst v63  }
.LBB1_8:
0x45: {  	_ =	sfence.sel $0x180000  }
0x46: {  	s2 =	simm.s32 $0x1;
	[bflag:$0x0] =	sbarrier.arrive $0xFFFF  }
0x47: {  	s31 =	simm.s32 $0x2;
	[sflag:s2] =	ssyncpa.u1 $0x1  }
0x48: {  	[sflag:s31] =	ssyncpa.u1 $0x1  }
0x49: {  	p0 =	sne.s32 s1, $0x0;
	_ =	strace $0x9000004D  }
0x4a: {  	s0 =	sadd.s32 @!p0 $0x100000, s0;
	[bflag:$0x2] =	sbarrier.arrive $0xFFFF  }
0x4b: {  	[sflag:s0] =	ssyncadd.tile.s32 @!p0 $0x1;
	_ =	shalt  }
.Lfunc_end1:
_tile_overlayer_lowered:
.L_overlay_start_2:
0x4c: {  	(tag) =	ssettag $0x2  }
0x4d: {  	s0 =	rddreg [dreg:$0x0];
	s2 =	stileid.u32  }
0x4e: {  	s1 =	rddreg [dreg:$0x1];
	p0 =	sne.s32 s2, $0x0  }
0x4f: {  	s3 =	rddreg [dreg:$0x2];
	[bflag:$0x3] =	sbarrier.arrive $0xFFFF;
	s2 =	simm.s32 @!p0 $0x1C01  }
0x50: {  	[timem:s3], [sflag:s2] =	dma.local @!p0 [hbm:s0], s1  }
0x51: {  	s0 =	simm.s32 @!p0 $0x1  }
0x52: {  	_ =	swait.ge @!p0 [sflag:s0], s1  }
0x53: {  	s1 =	ssub.s32 @!p0 $0x0, s1;
	[sflag:s0] =	ssyncset.done @!p0 $0x0  }
0x54: {  	[sflag:s0] =	ssyncadd.s32 @!p0 s1  }
0x55: {  	[bflag:$0x3] =	sbarrier.arrive $0xFFFF  }
0x56: {  	_ =	shalt  }

</sc_bundles>
